<compile_context>
chip_gen: v7x
topology: tpu7x:2x2x1
jax: 0.10.2.dev20260603
libtpu: 0.0.44.dev20260713+nightly
codegen_flags: <defaults>
</compile_context>

<pallas_src>
import functools

import jax
import jax.numpy as jnp
from jax import lax
from jax.experimental import pallas as pl
from jax.experimental.pallas import tpu as pltpu
from jax.experimental.pallas import tpu_sc as plsc

_B = 1024
_V = 100000
_NC, _NS, _L = 2, 16, 16
_NW = _NC * _NS
_BPW = _B // _NW
_CH = _BPW // _L

_LN2 = 0.6931471805599453


def _neg_log(v):
  bits = lax.bitcast_convert_type(v, jnp.int32)
  e = (lax.shift_right_logical(bits, 23) & 0xFF) - 127
  ef = e.astype(jnp.float32)
  m = lax.bitcast_convert_type((bits & 0x007FFFFF) | 0x3F800000, jnp.float32)
  s = (m - 1.0) / (m + 1.0)
  s2 = s * s
  lnm = 2.0 * s * (1.0 + s2 * (1.0 / 3.0 + s2 * (1.0 / 5.0 + s2 * (1.0 / 7.0 + s2 * (1.0 / 9.0)))))
  ln = ef * _LN2 + lnm
  return jnp.where(v == 0.0, jnp.float32(jnp.inf), -ln)


@functools.partial(
    pl.kernel,
    mesh=plsc.VectorSubcoreMesh(core_axis_name="c", subcore_axis_name="s"),
    compiler_params=pltpu.CompilerParams(needs_layout_passes=False),
    out_type=jax.ShapeDtypeStruct((_NW, _L), jnp.float32),
    scratch_types=[
        pltpu.VMEM((_BPW,), jnp.int32),
        pltpu.VMEM((_BPW, 8, 128), jnp.float32),
        pltpu.VMEM((_L,), jnp.float32),
        pltpu.SemaphoreType.DMA,
    ],
)
def _ce_gather(prd_hbm, trg_hbm, out_hbm, trg_v, tiles_v, stage_v, sem):
  wid = lax.axis_index("s") * _NC + lax.axis_index("c")
  base = wid * _BPW
  pltpu.sync_copy(trg_hbm.at[pl.ds(base, _BPW)], trg_v)
  copies = []
  for c in range(_CH):
    tch = trg_v[pl.ds(c * _L, _L)]
    for s in range(_L):
      i = c * _L + s
      t = tch[s]
      colb = pl.multiple_of(lax.shift_left(lax.shift_right_logical(t, 7), 7), 128)
      rb = base + (i // 8) * 8
      copies.append(
          pltpu.async_copy(
              prd_hbm.at[pl.ds(rb, 8), pl.ds(colb, 128)], tiles_v.at[i], sem
          )
      )
  for cp in copies:
    cp.wait()
  acc = jnp.zeros((_L,), jnp.float32)
  for c in range(_CH):
    tch = trg_v[pl.ds(c * _L, _L)]
    samp = lax.iota(jnp.int32, _L) + c * _L
    subrow = samp & 7
    lane = tch & 127
    vals = plsc.load_gather(tiles_v, [samp, subrow, lane])
    acc = acc + _neg_log(vals)
  stage_v[...] = acc
  pltpu.sync_copy(stage_v, out_hbm.at[wid])


def kernel(prd, trg):
  partials = _ce_gather(prd, trg.astype(jnp.int32))
  return jnp.sum(partials)

# --- scband reference (transcript-rebuilt; emitter-appended) ---
"""Pipeline reference for scband-cross-entropy-loss-31233002177068 (READ-ONLY COPY).

The authoritative reference and input builder live on the scoring server;
editing this copy changes nothing except your own understanding.
"""

import jax, jax.numpy as jnp
import numpy as np


def setup_inputs(seed: int = 0) -> dict:
    key = jax.random.key(seed)
    k1, k2 = jax.random.split(key)
    # prd: probabilities in (0,1); fill=rand per spec
    prd = jax.random.uniform(k1, (1024, 100000), dtype=jnp.float32)
    trg = jax.random.randint(k2, (1024,), 0, 100000, dtype=jnp.int64) if jax.config.jax_enable_x64 else jax.random.randint(k2, (1024,), 0, 100000, dtype=jnp.int32)
    return {"prd": prd, "trg": trg}


def reference(prd, trg):
    # Faithful vectorization of the per-sample loop:
    #   batch_loss = sum_i -log(prd[i, trg[i]])
    gathered = jnp.take_along_axis(prd, trg[:, None].astype(jnp.int32), axis=1)[:, 0]
    batch_loss = jnp.sum(-jnp.log(gathered))
    return batch_loss

if __name__ == "__main__":
    import jax
    _d = setup_inputs()
    print(jax.jit(kernel)(*tuple(_d.values())))

</pallas_src>

<mosaic_0001>
#map = affine_map<(d0, d1) -> (0, 0)>
#map1 = affine_map<(d0, d1) -> (0)>
module attributes {stable_mosaic.version = 14 : i64} {
  func.func @_ce_gather(%arg0: i32, %arg1: i32, %arg2: memref<1024x100000xf32, #tpu.memory_space<hbm>>, %arg3: memref<1024xi32, #tpu.memory_space<hbm>>, %arg4: memref<32x16xf32, #tpu.memory_space<hbm>>, %arg5: memref<32xi32, #tpu.memory_space<vmem>>, %arg6: memref<32x8x128xf32, #tpu.memory_space<vmem>>, %arg7: memref<16xf32, #tpu.memory_space<vmem>>, %arg8: memref<!tpu.dma_semaphore, #tpu.memory_space<semaphore_mem>>) attributes {dimension_semantics = [#tpu.dimension_semantics<core_parallel>, #tpu.dimension_semantics<subcore_parallel>], iteration_bounds = array<i64: 2, 16>, scalar_prefetch = 0 : i64, scratch_operands = 4 : i64, tpu.core_type = #tpu.core_type<sc_vector_subcore>, window_params = [{transform_indices = #map}, {transform_indices = #map1}, {transform_indices = #map}]} {
    %mul3A = arith.constant 2 : i32
    %mul3A_0 = arith.muli %arg1, %mul3A : i32
    %add3A = arith.addi %mul3A_0, %arg0 : i32
    %mul3A_1 = arith.constant 32 : i32
    %mul3A_2 = arith.muli %add3A, %mul3A_1 : i32
    "tpu.region"() ({
      %run_scoped3A = tpu.sem_alloc : memref<!tpu.dma_semaphore, #tpu.memory_space<semaphore_mem>>
      %dma_start3A_1131 = tpu.memref_slice %arg3[%mul3A_2] : memref<1024xi32, #tpu.memory_space<hbm>> -> memref<32xi32, #tpu.memory_space<hbm>>
      %dma_start3A_1132 = tpu.memref_slice %arg3[%mul3A_2] : memref<1024xi32, #tpu.memory_space<hbm>> -> memref<32xi32, #tpu.memory_space<hbm>>
      tpu.enqueue_dma source(%dma_start3A_1132 : memref<32xi32, #tpu.memory_space<hbm>>) target(%arg5 : memref<32xi32, #tpu.memory_space<vmem>>) target_semaphore(%run_scoped3A : memref<!tpu.dma_semaphore, #tpu.memory_space<semaphore_mem>>)
      %dma_wait3A_1133 = tpu.memref_slice %arg3[%mul3A_2] : memref<1024xi32, #tpu.memory_space<hbm>> -> memref<32xi32, #tpu.memory_space<hbm>>
      %dma_wait3A_1134 = tpu.memref_slice %arg3[%mul3A_2] : memref<1024xi32, #tpu.memory_space<hbm>> -> memref<32xi32, #tpu.memory_space<hbm>>
      tpu.wait_dma2 semaphore(%run_scoped3A : memref<!tpu.dma_semaphore, #tpu.memory_space<semaphore_mem>>) src(%dma_wait3A_1134 : memref<32xi32, #tpu.memory_space<hbm>>) dst(%arg5 : memref<32xi32, #tpu.memory_space<vmem>>)
      tpu.yield
    }) : () -> ()
    %get3A = arith.constant 0 : index
    %get3A_3 = tpu.vector_load %arg5[%get3A] {strides = array<i32>} : memref<32xi32, #tpu.memory_space<vmem>>, vector<16xi32>,
    %slice3A = vector.extract_strided_slice %get3A_3 {offsets = [0], sizes = [1], strides = [1]} : vector<16xi32> to vector<1xi32>
    %squeeze3A = vector.extract %slice3A[0] : i32 from vector<1xi32>
    %shift_right_logical3A = arith.constant 7 : i32
    %shift_right_logical3A_4 = arith.shrui %squeeze3A, %shift_right_logical3A : i32
    %shift_left3A = arith.constant 7 : i32
    %shift_left3A_5 = arith.shli %shift_right_logical3A_4, %shift_left3A : i32
    %multiple_of3A = tpu.assume_multiple %shift_left3A_5, 128 : i32
    %add3A_6 = arith.constant 0 : i32
    %add3A_7 = arith.addi %mul3A_2, %add3A_6 : i32
    %dma_start3A = arith.constant 0 : i32
    %dma_start3A_8 = arith.constant 0 : i32
    %dma_start3A_9 = arith.constant 0 : i32
    %dma_start3A_10 = tpu.memref_slice %arg6[%dma_start3A, %dma_start3A_8, %dma_start3A_9] : memref<32x8x128xf32, #tpu.memory_space<vmem>> -> memref<1x8x128xf32, #tpu.memory_space<vmem>>
    %dma_start3A_11 = tpu.memref_squeeze %dma_start3A_10 : memref<1x8x128xf32, #tpu.memory_space<vmem>> -> memref<8x128xf32, #tpu.memory_space<vmem>>
    %dma_start3A_12 = tpu.memref_slice %arg2[%add3A_7, %multiple_of3A] : memref<1024x100000xf32, #tpu.memory_space<hbm>> -> memref<8x128xf32, #tpu.memory_space<hbm>>
    %dma_start3A_13 = arith.constant 0 : i32
    %dma_start3A_14 = arith.constant 0 : i32
    %dma_start3A_15 = tpu.memref_slice %arg6[%dma_start3A, %dma_start3A_13, %dma_start3A_14] : memref<32x8x128xf32, #tpu.memory_space<vmem>> -> memref<1x8x128xf32, #tpu.memory_space<vmem>>
    %dma_start3A_16 = tpu.memref_squeeze %dma_start3A_15 : memref<1x8x128xf32, #tpu.memory_space<vmem>> -> memref<8x128xf32, #tpu.memory_space<vmem>>
    %dma_start3A_17 = tpu.memref_slice %arg2[%add3A_7, %multiple_of3A] : memref<1024x100000xf32, #tpu.memory_space<hbm>> -> memref<8x128xf32, #tpu.memory_space<hbm>>
    tpu.enqueue_dma source(%dma_start3A_17 : memref<8x128xf32, #tpu.memory_space<hbm>>) target(%dma_start3A_16 : memref<8x128xf32, #tpu.memory_space<vmem>>) target_semaphore(%arg8 : memref<!tpu.dma_semaphore, #tpu.memory_space<semaphore_mem>>)
    %slice3A_18 = vector.extract_strided_slice %get3A_3 {offsets = [1], sizes = [1], strides = [1]} : vector<16xi32> to vector<1xi32>
    %squeeze3A_19 = vector.extract %slice3A_18[0] : i32 from vector<1xi32>
    %shift_right_logical3A_20 = arith.constant 7 : i32
    %shift_right_logical3A_21 = arith.shrui %squeeze3A_19, %shift_right_logical3A_20 : i32
    %shift_left3A_22 = arith.constant 7 : i32
    %shift_left3A_23 = arith.shli %shift_right_logical3A_21, %shift_left3A_22 : i32
    %multiple_of3A_24 = tpu.assume_multiple %shift_left3A_23, 128 : i32
    %add3A_25 = arith.constant 0 : i32
    %add3A_26 = arith.addi %mul3A_2, %add3A_25 : i32
    %dma_start3A_27 = arith.constant 1 : i32
    %dma_start3A_28 = arith.constant 0 : i32
    %dma_start3A_29 = arith.constant 0 : i32
    %dma_start3A_30 = tpu.memref_slice %arg6[%dma_start3A_27, %dma_start3A_28, %dma_start3A_29] : memref<32x8x128xf32, #tpu.memory_space<vmem>> -> memref<1x8x128xf32, #tpu.memory_space<vmem>>
    %dma_start3A_31 = tpu.memref_squeeze %dma_start3A_30 : memref<1x8x128xf32, #tpu.memory_space<vmem>> -> memref<8x128xf32, #tpu.memory_space<vmem>>
    %dma_start3A_32 = tpu.memref_slice %arg2[%add3A_26, %multiple_of3A_24] : memref<1024x100000xf32, #tpu.memory_space<hbm>> -> memref<8x128xf32, #tpu.memory_space<hbm>>
    %dma_start3A_33 = arith.constant 0 : i32
    %dma_start3A_34 = arith.constant 0 : i32
    %dma_start3A_35 = tpu.memref_slice %arg6[%dma_start3A_27, %dma_start3A_33, %dma_start3A_34] : memref<32x8x128xf32, #tpu.memory_space<vmem>> -> memref<1x8x128xf32, #tpu.memory_space<vmem>>
    %dma_start3A_36 = tpu.memref_squeeze %dma_start3A_35 : memref<1x8x128xf32, #tpu.memory_space<vmem>> -> memref<8x128xf32, #tpu.memory_space<vmem>>
    %dma_start3A_37 = tpu.memref_slice %arg2[%add3A_26, %multiple_of3A_24] : memref<1024x100000xf32, #tpu.memory_space<hbm>> -> memref<8x128xf32, #tpu.memory_space<hbm>>
    tpu.enqueue_dma source(%dma_start3A_37 : memref<8x128xf32, #tpu.memory_space<hbm>>) target(%dma_start3A_36 : memref<8x128xf32, #tpu.memory_space<vmem>>) target_semaphore(%arg8 : memref<!tpu.dma_semaphore, #tpu.memory_space<semaphore_mem>>)
    %slice3A_38 = vector.extract_strided_slice %get3A_3 {offsets = [2], sizes = [1], strides = [1]} : vector<16xi32> to vector<1xi32>
    %squeeze3A_39 = vector.extract %slice3A_38[0] : i32 from vector<1xi32>
    %shift_right_logical3A_40 = arith.constant 7 : i32
    %shift_right_logical3A_41 = arith.shrui %squeeze3A_39, %shift_right_logical3A_40 : i32
    %shift_left3A_42 = arith.constant 7 : i32
    %shift_left3A_43 = arith.shli %shift_right_logical3A_41, %shift_left3A_42 : i32
    %multiple_of3A_44 = tpu.assume_multiple %shift_left3A_43, 128 : i32
    %add3A_45 = arith.constant 0 : i32
    %add3A_46 = arith.addi %mul3A_2, %add3A_45 : i32
    %dma_start3A_47 = arith.constant 2 : i32
    %dma_start3A_48 = arith.constant 0 : i32
    %dma_start3A_49 = arith.constant 0 : i32
    %dma_start3A_50 = tpu.memref_slice %arg6[%dma_start3A_47, %dma_start3A_48, %dma_start3A_49] : memref<32x8x128xf32, #tpu.memory_space<vmem>> -> memref<1x8x128xf32, #tpu.memory_space<vmem>>
    %dma_start3A_51 = tpu.memref_squeeze %dma_start3A_50 : memref<1x8x128xf32, #tpu.memory_space<vmem>> -> memref<8x128xf32, #tpu.memory_space<vmem>>
    %dma_start3A_52 = tpu.memref_slice %arg2[%add3A_46, %multiple_of3A_44] : memref<1024x100000xf32, #tpu.memory_space<hbm>> -> memref<8x128xf32, #tpu.memory_space<hbm>>
    %dma_start3A_53 = arith.constant 0 : i32
    %dma_start3A_54 = arith.constant 0 : i32
    %dma_start3A_55 = tpu.memref_slice %arg6[%dma_start3A_47, %dma_start3A_53, %dma_start3A_54] : memref<32x8x128xf32, #tpu.memory_space<vmem>> -> memref<1x8x128xf32, #tpu.memory_space<vmem>>
    %dma_start3A_56 = tpu.memref_squeeze %dma_start3A_55 : memref<1x8x128xf32, #tpu.memory_space<vmem>> -> memref<8x128xf32, #tpu.memory_space<vmem>>
    %dma_start3A_57 = tpu.memref_slice %arg2[%add3A_46, %multiple_of3A_44] : memref<1024x100000xf32, #tpu.memory_space<hbm>> -> memref<8x128xf32, #tpu.memory_space<hbm>>
    tpu.enqueue_dma source(%dma_start3A_57 : memref<8x128xf32, #tpu.memory_space<hbm>>) target(%dma_start3A_56 : memref<8x128xf32, #tpu.memory_space<vmem>>) target_semaphore(%arg8 : memref<!tpu.dma_semaphore, #tpu.memory_space<semaphore_mem>>)
    %slice3A_58 = vector.extract_strided_slice %get3A_3 {offsets = [3], sizes = [1], strides = [1]} : vector<16xi32> to vector<1xi32>
    %squeeze3A_59 = vector.extract %slice3A_58[0] : i32 from vector<1xi32>
    %shift_right_logical3A_60 = arith.constant 7 : i32
    %shift_right_logical3A_61 = arith.shrui %squeeze3A_59, %shift_right_logical3A_60 : i32
    %shift_left3A_62 = arith.constant 7 : i32
    %shift_left3A_63 = arith.shli %shift_right_logical3A_61, %shift_left3A_62 : i32
    %multiple_of3A_64 = tpu.assume_multiple %shift_left3A_63, 128 : i32
    %add3A_65 = arith.constant 0 : i32
    %add3A_66 = arith.addi %mul3A_2, %add3A_65 : i32
    %dma_start3A_67 = arith.constant 3 : i32
    %dma_start3A_68 = arith.constant 0 : i32
    %dma_start3A_69 = arith.constant 0 : i32
    %dma_start3A_70 = tpu.memref_slice %arg6[%dma_start3A_67, %dma_start3A_68, %dma_start3A_69] : memref<32x8x128xf32, #tpu.memory_space<vmem>> -> memref<1x8x128xf32, #tpu.memory_space<vmem>>
    %dma_start3A_71 = tpu.memref_squeeze %dma_start3A_70 : memref<1x8x128xf32, #tpu.memory_space<vmem>> -> memref<8x128xf32, #tpu.memory_space<vmem>>
    %dma_start3A_72 = tpu.memref_slice %arg2[%add3A_66, %multiple_of3A_64] : memref<1024x100000xf32, #tpu.memory_space<hbm>> -> memref<8x128xf32, #tpu.memory_space<hbm>>
    %dma_start3A_73 = arith.constant 0 : i32
    %dma_start3A_74 = arith.constant 0 : i32
    %dma_start3A_75 = tpu.memref_slice %arg6[%dma_start3A_67, %dma_start3A_73, %dma_start3A_74] : memref<32x8x128xf32, #tpu.memory_space<vmem>> -> memref<1x8x128xf32, #tpu.memory_space<vmem>>
    %dma_start3A_76 = tpu.memref_squeeze %dma_start3A_75 : memref<1x8x128xf32, #tpu.memory_space<vmem>> -> memref<8x128xf32, #tpu.memory_space<vmem>>
    %dma_start3A_77 = tpu.memref_slice %arg2[%add3A_66, %multiple_of3A_64] : memref<1024x100000xf32, #tpu.memory_space<hbm>> -> memref<8x128xf32, #tpu.memory_space<hbm>>
    tpu.enqueue_dma source(%dma_start3A_77 : memref<8x128xf32, #tpu.memory_space<hbm>>) target(%dma_start3A_76 : memref<8x128xf32, #tpu.memory_space<vmem>>) target_semaphore(%arg8 : memref<!tpu.dma_semaphore, #tpu.memory_space<semaphore_mem>>)
    %slice3A_78 = vector.extract_strided_slice %get3A_3 {offsets = [4], sizes = [1], strides = [1]} : vector<16xi32> to vector<1xi32>
    %squeeze3A_79 = vector.extract %slice3A_78[0] : i32 from vector<1xi32>
    %shift_right_logical3A_80 = arith.constant 7 : i32
    %shift_right_logical3A_81 = arith.shrui %squeeze3A_79, %shift_right_logical3A_80 : i32
    %shift_left3A_82 = arith.constant 7 : i32
    %shift_left3A_83 = arith.shli %shift_right_logical3A_81, %shift_left3A_82 : i32
    %multiple_of3A_84 = tpu.assume_multiple %shift_left3A_83, 128 : i32
    %add3A_85 = arith.constant 0 : i32
    %add3A_86 = arith.addi %mul3A_2, %add3A_85 : i32
    %dma_start3A_87 = arith.constant 4 : i32
    %dma_start3A_88 = arith.constant 0 : i32
    %dma_start3A_89 = arith.constant 0 : i32
    %dma_start3A_90 = tpu.memref_slice %arg6[%dma_start3A_87, %dma_start3A_88, %dma_start3A_89] : memref<32x8x128xf32, #tpu.memory_space<vmem>> -> memref<1x8x128xf32, #tpu.memory_space<vmem>>
    %dma_start3A_91 = tpu.memref_squeeze %dma_start3A_90 : memref<1x8x128xf32, #tpu.memory_space<vmem>> -> memref<8x128xf32, #tpu.memory_space<vmem>>
    %dma_start3A_92 = tpu.memref_slice %arg2[%add3A_86, %multiple_of3A_84] : memref<1024x100000xf32, #tpu.memory_space<hbm>> -> memref<8x128xf32, #tpu.memory_space<hbm>>
    %dma_start3A_93 = arith.constant 0 : i32
    %dma_start3A_94 = arith.constant 0 : i32
    %dma_start3A_95 = tpu.memref_slice %arg6[%dma_start3A_87, %dma_start3A_93, %dma_start3A_94] : memref<32x8x128xf32, #tpu.memory_space<vmem>> -> memref<1x8x128xf32, #tpu.memory_space<vmem>>
    %dma_start3A_96 = tpu.memref_squeeze %dma_start3A_95 : memref<1x8x128xf32, #tpu.memory_space<vmem>> -> memref<8x128xf32, #tpu.memory_space<vmem>>
    %dma_start3A_97 = tpu.memref_slice %arg2[%add3A_86, %multiple_of3A_84] : memref<1024x100000xf32, #tpu.memory_space<hbm>> -> memref<8x128xf32, #tpu.memory_space<hbm>>
    tpu.enqueue_dma source(%dma_start3A_97 : memref<8x128xf32, #tpu.memory_space<hbm>>) target(%dma_start3A_96 : memref<8x128xf32, #tpu.memory_space<vmem>>) target_semaphore(%arg8 : memref<!tpu.dma_semaphore, #tpu.memory_space<semaphore_mem>>)
    %slice3A_98 = vector.extract_strided_slice %get3A_3 {offsets = [5], sizes = [1], strides = [1]} : vector<16xi32> to vector<1xi32>
    %squeeze3A_99 = vector.extract %slice3A_98[0] : i32 from vector<1xi32>
    %shift_right_logical3A_100 = arith.constant 7 : i32
    %shift_right_logical3A_101 = arith.shrui %squeeze3A_99, %shift_right_logical3A_100 : i32
    %shift_left3A_102 = arith.constant 7 : i32
    %shift_left3A_103 = arith.shli %shift_right_logical3A_101, %shift_left3A_102 : i32
    %multiple_of3A_104 = tpu.assume_multiple %shift_left3A_103, 128 : i32
    %add3A_105 = arith.constant 0 : i32
    %add3A_106 = arith.addi %mul3A_2, %add3A_105 : i32
    %dma_start3A_107 = arith.constant 5 : i32
    %dma_start3A_108 = arith.constant 0 : i32
    %dma_start3A_109 = arith.constant 0 : i32
    %dma_start3A_110 = tpu.memref_slice %arg6[%dma_start3A_107, %dma_start3A_108, %dma_start3A_109] : memref<32x8x128xf32, #tpu.memory_space<vmem>> -> memref<1x8x128xf32, #tpu.memory_space<vmem>>
    %dma_start3A_111 = tpu.memref_squeeze %dma_start3A_110 : memref<1x8x128xf32, #tpu.memory_space<vmem>> -> memref<8x128xf32, #tpu.memory_space<vmem>>
    %dma_start3A_112 = tpu.memref_slice %arg2[%add3A_106, %multiple_of3A_104] : memref<1024x100000xf32, #tpu.memory_space<hbm>> -> memref<8x128xf32, #tpu.memory_space<hbm>>
    %dma_start3A_113 = arith.constant 0 : i32
    %dma_start3A_114 = arith.constant 0 : i32
    %dma_start3A_115 = tpu.memref_slice %arg6[%dma_start3A_107, %dma_start3A_113, %dma_start3A_114] : memref<32x8x128xf32, #tpu.memory_space<vmem>> -> memref<1x8x128xf32, #tpu.memory_space<vmem>>
    %dma_start3A_116 = tpu.memref_squeeze %dma_start3A_115 : memref<1x8x128xf32, #tpu.memory_space<vmem>> -> memref<8x128xf32, #tpu.memory_space<vmem>>
    %dma_start3A_117 = tpu.memref_slice %arg2[%add3A_106, %multiple_of3A_104] : memref<1024x100000xf32, #tpu.memory_space<hbm>> -> memref<8x128xf32, #tpu.memory_space<hbm>>
    tpu.enqueue_dma source(%dma_start3A_117 : memref<8x128xf32, #tpu.memory_space<hbm>>) target(%dma_start3A_116 : memref<8x128xf32, #tpu.memory_space<vmem>>) target_semaphore(%arg8 : memref<!tpu.dma_semaphore, #tpu.memory_space<semaphore_mem>>)
    %slice3A_118 = vector.extract_strided_slice %get3A_3 {offsets = [6], sizes = [1], strides = [1]} : vector<16xi32> to vector<1xi32>
    %squeeze3A_119 = vector.extract %slice3A_118[0] : i32 from vector<1xi32>
    %shift_right_logical3A_120 = arith.constant 7 : i32
    %shift_right_logical3A_121 = arith.shrui %squeeze3A_119, %shift_right_logical3A_120 : i32
    %shift_left3A_122 = arith.constant 7 : i32
    %shift_left3A_123 = arith.shli %shift_right_logical3A_121, %shift_left3A_122 : i32
    %multiple_of3A_124 = tpu.assume_multiple %shift_left3A_123, 128 : i32
    %add3A_125 = arith.constant 0 : i32
    %add3A_126 = arith.addi %mul3A_2, %add3A_125 : i32
    %dma_start3A_127 = arith.constant 6 : i32
    %dma_start3A_128 = arith.constant 0 : i32
    %dma_start3A_129 = arith.constant 0 : i32
    %dma_start3A_130 = tpu.memref_slice %arg6[%dma_start3A_127, %dma_start3A_128, %dma_start3A_129] : memref<32x8x128xf32, #tpu.memory_space<vmem>> -> memref<1x8x128xf32, #tpu.memory_space<vmem>>
    %dma_start3A_131 = tpu.memref_squeeze %dma_start3A_130 : memref<1x8x128xf32, #tpu.memory_space<vmem>> -> memref<8x128xf32, #tpu.memory_space<vmem>>
    %dma_start3A_132 = tpu.memref_slice %arg2[%add3A_126, %multiple_of3A_124] : memref<1024x100000xf32, #tpu.memory_space<hbm>> -> memref<8x128xf32, #tpu.memory_space<hbm>>
    %dma_start3A_133 = arith.constant 0 : i32
    %dma_start3A_134 = arith.constant 0 : i32
    %dma_start3A_135 = tpu.memref_slice %arg6[%dma_start3A_127, %dma_start3A_133, %dma_start3A_134] : memref<32x8x128xf32, #tpu.memory_space<vmem>> -> memref<1x8x128xf32, #tpu.memory_space<vmem>>
    %dma_start3A_136 = tpu.memref_squeeze %dma_start3A_135 : memref<1x8x128xf32, #tpu.memory_space<vmem>> -> memref<8x128xf32, #tpu.memory_space<vmem>>
    %dma_start3A_137 = tpu.memref_slice %arg2[%add3A_126, %multiple_of3A_124] : memref<1024x100000xf32, #tpu.memory_space<hbm>> -> memref<8x128xf32, #tpu.memory_space<hbm>>
    tpu.enqueue_dma source(%dma_start3A_137 : memref<8x128xf32, #tpu.memory_space<hbm>>) target(%dma_start3A_136 : memref<8x128xf32, #tpu.memory_space<vmem>>) target_semaphore(%arg8 : memref<!tpu.dma_semaphore, #tpu.memory_space<semaphore_mem>>)
    %slice3A_138 = vector.extract_strided_slice %get3A_3 {offsets = [7], sizes = [1], strides = [1]} : vector<16xi32> to vector<1xi32>
    %squeeze3A_139 = vector.extract %slice3A_138[0] : i32 from vector<1xi32>
    %shift_right_logical3A_140 = arith.constant 7 : i32
    %shift_right_logical3A_141 = arith.shrui %squeeze3A_139, %shift_right_logical3A_140 : i32
    %shift_left3A_142 = arith.constant 7 : i32
    %shift_left3A_143 = arith.shli %shift_right_logical3A_141, %shift_left3A_142 : i32
    %multiple_of3A_144 = tpu.assume_multiple %shift_left3A_143, 128 : i32
    %add3A_145 = arith.constant 0 : i32
    %add3A_146 = arith.addi %mul3A_2, %add3A_145 : i32
    %dma_start3A_147 = arith.constant 7 : i32
    %dma_start3A_148 = arith.constant 0 : i32
    %dma_start3A_149 = arith.constant 0 : i32
    %dma_start3A_150 = tpu.memref_slice %arg6[%dma_start3A_147, %dma_start3A_148, %dma_start3A_149] : memref<32x8x128xf32, #tpu.memory_space<vmem>> -> memref<1x8x128xf32, #tpu.memory_space<vmem>>
    %dma_start3A_151 = tpu.memref_squeeze %dma_start3A_150 : memref<1x8x128xf32, #tpu.memory_space<vmem>> -> memref<8x128xf32, #tpu.memory_space<vmem>>
    %dma_start3A_152 = tpu.memref_slice %arg2[%add3A_146, %multiple_of3A_144] : memref<1024x100000xf32, #tpu.memory_space<hbm>> -> memref<8x128xf32, #tpu.memory_space<hbm>>
    %dma_start3A_153 = arith.constant 0 : i32
    %dma_start3A_154 = arith.constant 0 : i32
    %dma_start3A_155 = tpu.memref_slice %arg6[%dma_start3A_147, %dma_start3A_153, %dma_start3A_154] : memref<32x8x128xf32, #tpu.memory_space<vmem>> -> memref<1x8x128xf32, #tpu.memory_space<vmem>>
    %dma_start3A_156 = tpu.memref_squeeze %dma_start3A_155 : memref<1x8x128xf32, #tpu.memory_space<vmem>> -> memref<8x128xf32, #tpu.memory_space<vmem>>
    %dma_start3A_157 = tpu.memref_slice %arg2[%add3A_146, %multiple_of3A_144] : memref<1024x100000xf32, #tpu.memory_space<hbm>> -> memref<8x128xf32, #tpu.memory_space<hbm>>
    tpu.enqueue_dma source(%dma_start3A_157 : memref<8x128xf32, #tpu.memory_space<hbm>>) target(%dma_start3A_156 : memref<8x128xf32, #tpu.memory_space<vmem>>) target_semaphore(%arg8 : memref<!tpu.dma_semaphore, #tpu.memory_space<semaphore_mem>>)
    %slice3A_158 = vector.extract_strided_slice %get3A_3 {offsets = [8], sizes = [1], strides = [1]} : vector<16xi32> to vector<1xi32>
    %squeeze3A_159 = vector.extract %slice3A_158[0] : i32 from vector<1xi32>
    %shift_right_logical3A_160 = arith.constant 7 : i32
    %shift_right_logical3A_161 = arith.shrui %squeeze3A_159, %shift_right_logical3A_160 : i32
    %shift_left3A_162 = arith.constant 7 : i32
    %shift_left3A_163 = arith.shli %shift_right_logical3A_161, %shift_left3A_162 : i32
    %multiple_of3A_164 = tpu.assume_multiple %shift_left3A_163, 128 : i32
    %add3A_165 = arith.constant 8 : i32
    %add3A_166 = arith.addi %mul3A_2, %add3A_165 : i32
    %dma_start3A_167 = arith.constant 8 : i32
    %dma_start3A_168 = arith.constant 0 : i32
    %dma_start3A_169 = arith.constant 0 : i32
    %dma_start3A_170 = tpu.memref_slice %arg6[%dma_start3A_167, %dma_start3A_168, %dma_start3A_169] : memref<32x8x128xf32, #tpu.memory_space<vmem>> -> memref<1x8x128xf32, #tpu.memory_space<vmem>>
    %dma_start3A_171 = tpu.memref_squeeze %dma_start3A_170 : memref<1x8x128xf32, #tpu.memory_space<vmem>> -> memref<8x128xf32, #tpu.memory_space<vmem>>
    %dma_start3A_172 = tpu.memref_slice %arg2[%add3A_166, %multiple_of3A_164] : memref<1024x100000xf32, #tpu.memory_space<hbm>> -> memref<8x128xf32, #tpu.memory_space<hbm>>
    %dma_start3A_173 = arith.constant 0 : i32
    %dma_start3A_174 = arith.constant 0 : i32
    %dma_start3A_175 = tpu.memref_slice %arg6[%dma_start3A_167, %dma_start3A_173, %dma_start3A_174] : memref<32x8x128xf32, #tpu.memory_space<vmem>> -> memref<1x8x128xf32, #tpu.memory_space<vmem>>
    %dma_start3A_176 = tpu.memref_squeeze %dma_start3A_175 : memref<1x8x128xf32, #tpu.memory_space<vmem>> -> memref<8x128xf32, #tpu.memory_space<vmem>>
    %dma_start3A_177 = tpu.memref_slice %arg2[%add3A_166, %multiple_of3A_164] : memref<1024x100000xf32, #tpu.memory_space<hbm>> -> memref<8x128xf32, #tpu.memory_space<hbm>>
    tpu.enqueue_dma source(%dma_start3A_177 : memref<8x128xf32, #tpu.memory_space<hbm>>) target(%dma_start3A_176 : memref<8x128xf32, #tpu.memory_space<vmem>>) target_semaphore(%arg8 : memref<!tpu.dma_semaphore, #tpu.memory_space<semaphore_mem>>)
    %slice3A_178 = vector.extract_strided_slice %get3A_3 {offsets = [9], sizes = [1], strides = [1]} : vector<16xi32> to vector<1xi32>
    %squeeze3A_179 = vector.extract %slice3A_178[0] : i32 from vector<1xi32>
    %shift_right_logical3A_180 = arith.constant 7 : i32
    %shift_right_logical3A_181 = arith.shrui %squeeze3A_179, %shift_right_logical3A_180 : i32
    %shift_left3A_182 = arith.constant 7 : i32
    %shift_left3A_183 = arith.shli %shift_right_logical3A_181, %shift_left3A_182 : i32
    %multiple_of3A_184 = tpu.assume_multiple %shift_left3A_183, 128 : i32
    %add3A_185 = arith.constant 8 : i32
    %add3A_186 = arith.addi %mul3A_2, %add3A_185 : i32
    %dma_start3A_187 = arith.constant 9 : i32
    %dma_start3A_188 = arith.constant 0 : i32
    %dma_start3A_189 = arith.constant 0 : i32
    %dma_start3A_190 = tpu.memref_slice %arg6[%dma_start3A_187, %dma_start3A_188, %dma_start3A_189] : memref<32x8x128xf32, #tpu.memory_space<vmem>> -> memref<1x8x128xf32, #tpu.memory_space<vmem>>
    %dma_start3A_191 = tpu.memref_squeeze %dma_start3A_190 : memref<1x8x128xf32, #tpu.memory_space<vmem>> -> memref<8x128xf32, #tpu.memory_space<vmem>>
    %dma_start3A_192 = tpu.memref_slice %arg2[%add3A_186, %multiple_of3A_184] : memref<1024x100000xf32, #tpu.memory_space<hbm>> -> memref<8x128xf32, #tpu.memory_space<hbm>>
    %dma_start3A_193 = arith.constant 0 : i32
    %dma_start3A_194 = arith.constant 0 : i32
    %dma_start3A_195 = tpu.memref_slice %arg6[%dma_start3A_187, %dma_start3A_193, %dma_start3A_194] : memref<32x8x128xf32, #tpu.memory_space<vmem>> -> memref<1x8x128xf32, #tpu.memory_space<vmem>>
    %dma_start3A_196 = tpu.memref_squeeze %dma_start3A_195 : memref<1x8x128xf32, #tpu.memory_space<vmem>> -> memref<8x128xf32, #tpu.memory_space<vmem>>
    %dma_start3A_197 = tpu.memref_slice %arg2[%add3A_186, %multiple_of3A_184] : memref<1024x100000xf32, #tpu.memory_space<hbm>> -> memref<8x128xf32, #tpu.memory_space<hbm>>
    tpu.enqueue_dma source(%dma_start3A_197 : memref<8x128xf32, #tpu.memory_space<hbm>>) target(%dma_start3A_196 : memref<8x128xf32, #tpu.memory_space<vmem>>) target_semaphore(%arg8 : memref<!tpu.dma_semaphore, #tpu.memory_space<semaphore_mem>>)
    %slice3A_198 = vector.extract_strided_slice %get3A_3 {offsets = [10], sizes = [1], strides = [1]} : vector<16xi32> to vector<1xi32>
    %squeeze3A_199 = vector.extract %slice3A_198[0] : i32 from vector<1xi32>
    %shift_right_logical3A_200 = arith.constant 7 : i32
    %shift_right_logical3A_201 = arith.shrui %squeeze3A_199, %shift_right_logical3A_200 : i32
    %shift_left3A_202 = arith.constant 7 : i32
    %shift_left3A_203 = arith.shli %shift_right_logical3A_201, %shift_left3A_202 : i32
    %multiple_of3A_204 = tpu.assume_multiple %shift_left3A_203, 128 : i32
    %add3A_205 = arith.constant 8 : i32
    %add3A_206 = arith.addi %mul3A_2, %add3A_205 : i32
    %dma_start3A_207 = arith.constant 10 : i32
    %dma_start3A_208 = arith.constant 0 : i32
    %dma_start3A_209 = arith.constant 0 : i32
    %dma_start3A_210 = tpu.memref_slice %arg6[%dma_start3A_207, %dma_start3A_208, %dma_start3A_209] : memref<32x8x128xf32, #tpu.memory_space<vmem>> -> memref<1x8x128xf32, #tpu.memory_space<vmem>>
    %dma_start3A_211 = tpu.memref_squeeze %dma_start3A_210 : memref<1x8x128xf32, #tpu.memory_space<vmem>> -> memref<8x128xf32, #tpu.memory_space<vmem>>
    %dma_start3A_212 = tpu.memref_slice %arg2[%add3A_206, %multiple_of3A_204] : memref<1024x100000xf32, #tpu.memory_space<hbm>> -> memref<8x128xf32, #tpu.memory_space<hbm>>
    %dma_start3A_213 = arith.constant 0 : i32
    %dma_start3A_214 = arith.constant 0 : i32
    %dma_start3A_215 = tpu.memref_slice %arg6[%dma_start3A_207, %dma_start3A_213, %dma_start3A_214] : memref<32x8x128xf32, #tpu.memory_space<vmem>> -> memref<1x8x128xf32, #tpu.memory_space<vmem>>
    %dma_start3A_216 = tpu.memref_squeeze %dma_start3A_215 : memref<1x8x128xf32, #tpu.memory_space<vmem>> -> memref<8x128xf32, #tpu.memory_space<vmem>>
    %dma_start3A_217 = tpu.memref_slice %arg2[%add3A_206, %multiple_of3A_204] : memref<1024x100000xf32, #tpu.memory_space<hbm>> -> memref<8x128xf32, #tpu.memory_space<hbm>>
    tpu.enqueue_dma source(%dma_start3A_217 : memref<8x128xf32, #tpu.memory_space<hbm>>) target(%dma_start3A_216 : memref<8x128xf32, #tpu.memory_space<vmem>>) target_semaphore(%arg8 : memref<!tpu.dma_semaphore, #tpu.memory_space<semaphore_mem>>)
    %slice3A_218 = vector.extract_strided_slice %get3A_3 {offsets = [11], sizes = [1], strides = [1]} : vector<16xi32> to vector<1xi32>
    %squeeze3A_219 = vector.extract %slice3A_218[0] : i32 from vector<1xi32>
    %shift_right_logical3A_220 = arith.constant 7 : i32
    %shift_right_logical3A_221 = arith.shrui %squeeze3A_219, %shift_right_logical3A_220 : i32
    %shift_left3A_222 = arith.constant 7 : i32
    %shift_left3A_223 = arith.shli %shift_right_logical3A_221, %shift_left3A_222 : i32
    %multiple_of3A_224 = tpu.assume_multiple %shift_left3A_223, 128 : i32
    %add3A_225 = arith.constant 8 : i32
    %add3A_226 = arith.addi %mul3A_2, %add3A_225 : i32
    %dma_start3A_227 = arith.constant 11 : i32
    %dma_start3A_228 = arith.constant 0 : i32
    %dma_start3A_229 = arith.constant 0 : i32
    %dma_start3A_230 = tpu.memref_slice %arg6[%dma_start3A_227, %dma_start3A_228, %dma_start3A_229] : memref<32x8x128xf32, #tpu.memory_space<vmem>> -> memref<1x8x128xf32, #tpu.memory_space<vmem>>
    %dma_start3A_231 = tpu.memref_squeeze %dma_start3A_230 : memref<1x8x128xf32, #tpu.memory_space<vmem>> -> memref<8x128xf32, #tpu.memory_space<vmem>>
    %dma_start3A_232 = tpu.memref_slice %arg2[%add3A_226, %multiple_of3A_224] : memref<1024x100000xf32, #tpu.memory_space<hbm>> -> memref<8x128xf32, #tpu.memory_space<hbm>>
    %dma_start3A_233 = arith.constant 0 : i32
    %dma_start3A_234 = arith.constant 0 : i32
    %dma_start3A_235 = tpu.memref_slice %arg6[%dma_start3A_227, %dma_start3A_233, %dma_start3A_234] : memref<32x8x128xf32, #tpu.memory_space<vmem>> -> memref<1x8x128xf32, #tpu.memory_space<vmem>>
    %dma_start3A_236 = tpu.memref_squeeze %dma_start3A_235 : memref<1x8x128xf32, #tpu.memory_space<vmem>> -> memref<8x128xf32, #tpu.memory_space<vmem>>
    %dma_start3A_237 = tpu.memref_slice %arg2[%add3A_226, %multiple_of3A_224] : memref<1024x100000xf32, #tpu.memory_space<hbm>> -> memref<8x128xf32, #tpu.memory_space<hbm>>
    tpu.enqueue_dma source(%dma_start3A_237 : memref<8x128xf32, #tpu.memory_space<hbm>>) target(%dma_start3A_236 : memref<8x128xf32, #tpu.memory_space<vmem>>) target_semaphore(%arg8 : memref<!tpu.dma_semaphore, #tpu.memory_space<semaphore_mem>>)
    %slice3A_238 = vector.extract_strided_slice %get3A_3 {offsets = [12], sizes = [1], strides = [1]} : vector<16xi32> to vector<1xi32>
    %squeeze3A_239 = vector.extract %slice3A_238[0] : i32 from vector<1xi32>
    %shift_right_logical3A_240 = arith.constant 7 : i32
    %shift_right_logical3A_241 = arith.shrui %squeeze3A_239, %shift_right_logical3A_240 : i32
    %shift_left3A_242 = arith.constant 7 : i32
    %shift_left3A_243 = arith.shli %shift_right_logical3A_241, %shift_left3A_242 : i32
    %multiple_of3A_244 = tpu.assume_multiple %shift_left3A_243, 128 : i32
    %add3A_245 = arith.constant 8 : i32
    %add3A_246 = arith.addi %mul3A_2, %add3A_245 : i32
    %dma_start3A_247 = arith.constant 12 : i32
    %dma_start3A_248 = arith.constant 0 : i32
    %dma_start3A_249 = arith.constant 0 : i32
    %dma_start3A_250 = tpu.memref_slice %arg6[%dma_start3A_247, %dma_start3A_248, %dma_start3A_249] : memref<32x8x128xf32, #tpu.memory_space<vmem>> -> memref<1x8x128xf32, #tpu.memory_space<vmem>>
    %dma_start3A_251 = tpu.memref_squeeze %dma_start3A_250 : memref<1x8x128xf32, #tpu.memory_space<vmem>> -> memref<8x128xf32, #tpu.memory_space<vmem>>
    %dma_start3A_252 = tpu.memref_slice %arg2[%add3A_246, %multiple_of3A_244] : memref<1024x100000xf32, #tpu.memory_space<hbm>> -> memref<8x128xf32, #tpu.memory_space<hbm>>
    %dma_start3A_253 = arith.constant 0 : i32
    %dma_start3A_254 = arith.constant 0 : i32
    %dma_start3A_255 = tpu.memref_slice %arg6[%dma_start3A_247, %dma_start3A_253, %dma_start3A_254] : memref<32x8x128xf32, #tpu.memory_space<vmem>> -> memref<1x8x128xf32, #tpu.memory_space<vmem>>
    %dma_start3A_256 = tpu.memref_squeeze %dma_start3A_255 : memref<1x8x128xf32, #tpu.memory_space<vmem>> -> memref<8x128xf32, #tpu.memory_space<vmem>>
    %dma_start3A_257 = tpu.memref_slice %arg2[%add3A_246, %multiple_of3A_244] : memref<1024x100000xf32, #tpu.memory_space<hbm>> -> memref<8x128xf32, #tpu.memory_space<hbm>>
    tpu.enqueue_dma source(%dma_start3A_257 : memref<8x128xf32, #tpu.memory_space<hbm>>) target(%dma_start3A_256 : memref<8x128xf32, #tpu.memory_space<vmem>>) target_semaphore(%arg8 : memref<!tpu.dma_semaphore, #tpu.memory_space<semaphore_mem>>)
    %slice3A_258 = vector.extract_strided_slice %get3A_3 {offsets = [13], sizes = [1], strides = [1]} : vector<16xi32> to vector<1xi32>
    %squeeze3A_259 = vector.extract %slice3A_258[0] : i32 from vector<1xi32>
    %shift_right_logical3A_260 = arith.constant 7 : i32
    %shift_right_logical3A_261 = arith.shrui %squeeze3A_259, %shift_right_logical3A_260 : i32
    %shift_left3A_262 = arith.constant 7 : i32
    %shift_left3A_263 = arith.shli %shift_right_logical3A_261, %shift_left3A_262 : i32
    %multiple_of3A_264 = tpu.assume_multiple %shift_left3A_263, 128 : i32
    %add3A_265 = arith.constant 8 : i32
    %add3A_266 = arith.addi %mul3A_2, %add3A_265 : i32
    %dma_start3A_267 = arith.constant 13 : i32
    %dma_start3A_268 = arith.constant 0 : i32
    %dma_start3A_269 = arith.constant 0 : i32
    %dma_start3A_270 = tpu.memref_slice %arg6[%dma_start3A_267, %dma_start3A_268, %dma_start3A_269] : memref<32x8x128xf32, #tpu.memory_space<vmem>> -> memref<1x8x128xf32, #tpu.memory_space<vmem>>
    %dma_start3A_271 = tpu.memref_squeeze %dma_start3A_270 : memref<1x8x128xf32, #tpu.memory_space<vmem>> -> memref<8x128xf32, #tpu.memory_space<vmem>>
    %dma_start3A_272 = tpu.memref_slice %arg2[%add3A_266, %multiple_of3A_264] : memref<1024x100000xf32, #tpu.memory_space<hbm>> -> memref<8x128xf32, #tpu.memory_space<hbm>>
    %dma_start3A_273 = arith.constant 0 : i32
    %dma_start3A_274 = arith.constant 0 : i32
    %dma_start3A_275 = tpu.memref_slice %arg6[%dma_start3A_267, %dma_start3A_273, %dma_start3A_274] : memref<32x8x128xf32, #tpu.memory_space<vmem>> -> memref<1x8x128xf32, #tpu.memory_space<vmem>>
    %dma_start3A_276 = tpu.memref_squeeze %dma_start3A_275 : memref<1x8x128xf32, #tpu.memory_space<vmem>> -> memref<8x128xf32, #tpu.memory_space<vmem>>
    %dma_start3A_277 = tpu.memref_slice %arg2[%add3A_266, %multiple_of3A_264] : memref<1024x100000xf32, #tpu.memory_space<hbm>> -> memref<8x128xf32, #tpu.memory_space<hbm>>
    tpu.enqueue_dma source(%dma_start3A_277 : memref<8x128xf32, #tpu.memory_space<hbm>>) target(%dma_start3A_276 : memref<8x128xf32, #tpu.memory_space<vmem>>) target_semaphore(%arg8 : memref<!tpu.dma_semaphore, #tpu.memory_space<semaphore_mem>>)
    %slice3A_278 = vector.extract_strided_slice %get3A_3 {offsets = [14], sizes = [1], strides = [1]} : vector<16xi32> to vector<1xi32>
    %squeeze3A_279 = vector.extract %slice3A_278[0] : i32 from vector<1xi32>
    %shift_right_logical3A_280 = arith.constant 7 : i32
    %shift_right_logical3A_281 = arith.shrui %squeeze3A_279, %shift_right_logical3A_280 : i32
    %shift_left3A_282 = arith.constant 7 : i32
    %shift_left3A_283 = arith.shli %shift_right_logical3A_281, %shift_left3A_282 : i32
    %multiple_of3A_284 = tpu.assume_multiple %shift_left3A_283, 128 : i32
    %add3A_285 = arith.constant 8 : i32
    %add3A_286 = arith.addi %mul3A_2, %add3A_285 : i32
    %dma_start3A_287 = arith.constant 14 : i32
    %dma_start3A_288 = arith.constant 0 : i32
    %dma_start3A_289 = arith.constant 0 : i32
    %dma_start3A_290 = tpu.memref_slice %arg6[%dma_start3A_287, %dma_start3A_288, %dma_start3A_289] : memref<32x8x128xf32, #tpu.memory_space<vmem>> -> memref<1x8x128xf32, #tpu.memory_space<vmem>>
    %dma_start3A_291 = tpu.memref_squeeze %dma_start3A_290 : memref<1x8x128xf32, #tpu.memory_space<vmem>> -> memref<8x128xf32, #tpu.memory_space<vmem>>
    %dma_start3A_292 = tpu.memref_slice %arg2[%add3A_286, %multiple_of3A_284] : memref<1024x100000xf32, #tpu.memory_space<hbm>> -> memref<8x128xf32, #tpu.memory_space<hbm>>
    %dma_start3A_293 = arith.constant 0 : i32
    %dma_start3A_294 = arith.constant 0 : i32
    %dma_start3A_295 = tpu.memref_slice %arg6[%dma_start3A_287, %dma_start3A_293, %dma_start3A_294] : memref<32x8x128xf32, #tpu.memory_space<vmem>> -> memref<1x8x128xf32, #tpu.memory_space<vmem>>
    %dma_start3A_296 = tpu.memref_squeeze %dma_start3A_295 : memref<1x8x128xf32, #tpu.memory_space<vmem>> -> memref<8x128xf32, #tpu.memory_space<vmem>>
    %dma_start3A_297 = tpu.memref_slice %arg2[%add3A_286, %multiple_of3A_284] : memref<1024x100000xf32, #tpu.memory_space<hbm>> -> memref<8x128xf32, #tpu.memory_space<hbm>>
    tpu.enqueue_dma source(%dma_start3A_297 : memref<8x128xf32, #tpu.memory_space<hbm>>) target(%dma_start3A_296 : memref<8x128xf32, #tpu.memory_space<vmem>>) target_semaphore(%arg8 : memref<!tpu.dma_semaphore, #tpu.memory_space<semaphore_mem>>)
    %slice3A_298 = vector.extract_strided_slice %get3A_3 {offsets = [15], sizes = [1], strides = [1]} : vector<16xi32> to vector<1xi32>
    %squeeze3A_299 = vector.extract %slice3A_298[0] : i32 from vector<1xi32>
    %shift_right_logical3A_300 = arith.constant 7 : i32
    %shift_right_logical3A_301 = arith.shrui %squeeze3A_299, %shift_right_logical3A_300 : i32
    %shift_left3A_302 = arith.constant 7 : i32
    %shift_left3A_303 = arith.shli %shift_right_logical3A_301, %shift_left3A_302 : i32
    %multiple_of3A_304 = tpu.assume_multiple %shift_left3A_303, 128 : i32
    %add3A_305 = arith.constant 8 : i32
    %add3A_306 = arith.addi %mul3A_2, %add3A_305 : i32
    %dma_start3A_307 = arith.constant 15 : i32
    %dma_start3A_308 = arith.constant 0 : i32
    %dma_start3A_309 = arith.constant 0 : i32
    %dma_start3A_310 = tpu.memref_slice %arg6[%dma_start3A_307, %dma_start3A_308, %dma_start3A_309] : memref<32x8x128xf32, #tpu.memory_space<vmem>> -> memref<1x8x128xf32, #tpu.memory_space<vmem>>
    %dma_start3A_311 = tpu.memref_squeeze %dma_start3A_310 : memref<1x8x128xf32, #tpu.memory_space<vmem>> -> memref<8x128xf32, #tpu.memory_space<vmem>>
    %dma_start3A_312 = tpu.memref_slice %arg2[%add3A_306, %multiple_of3A_304] : memref<1024x100000xf32, #tpu.memory_space<hbm>> -> memref<8x128xf32, #tpu.memory_space<hbm>>
    %dma_start3A_313 = arith.constant 0 : i32
    %dma_start3A_314 = arith.constant 0 : i32
    %dma_start3A_315 = tpu.memref_slice %arg6[%dma_start3A_307, %dma_start3A_313, %dma_start3A_314] : memref<32x8x128xf32, #tpu.memory_space<vmem>> -> memref<1x8x128xf32, #tpu.memory_space<vmem>>
    %dma_start3A_316 = tpu.memref_squeeze %dma_start3A_315 : memref<1x8x128xf32, #tpu.memory_space<vmem>> -> memref<8x128xf32, #tpu.memory_space<vmem>>
    %dma_start3A_317 = tpu.memref_slice %arg2[%add3A_306, %multiple_of3A_304] : memref<1024x100000xf32, #tpu.memory_space<hbm>> -> memref<8x128xf32, #tpu.memory_space<hbm>>
    tpu.enqueue_dma source(%dma_start3A_317 : memref<8x128xf32, #tpu.memory_space<hbm>>) target(%dma_start3A_316 : memref<8x128xf32, #tpu.memory_space<vmem>>) target_semaphore(%arg8 : memref<!tpu.dma_semaphore, #tpu.memory_space<semaphore_mem>>)
    %get3A_318 = arith.constant 16 : index
    %get3A_319 = tpu.vector_load %arg5[%get3A_318] {strides = array<i32>} : memref<32xi32, #tpu.memory_space<vmem>>, vector<16xi32>,
    %slice3A_320 = vector.extract_strided_slice %get3A_319 {offsets = [0], sizes = [1], strides = [1]} : vector<16xi32> to vector<1xi32>
    %squeeze3A_321 = vector.extract %slice3A_320[0] : i32 from vector<1xi32>
    %shift_right_logical3A_322 = arith.constant 7 : i32
    %shift_right_logical3A_323 = arith.shrui %squeeze3A_321, %shift_right_logical3A_322 : i32
    %shift_left3A_324 = arith.constant 7 : i32
    %shift_left3A_325 = arith.shli %shift_right_logical3A_323, %shift_left3A_324 : i32
    %multiple_of3A_326 = tpu.assume_multiple %shift_left3A_325, 128 : i32
    %add3A_327 = arith.constant 16 : i32
    %add3A_328 = arith.addi %mul3A_2, %add3A_327 : i32
    %dma_start3A_329 = arith.constant 16 : i32
    %dma_start3A_330 = arith.constant 0 : i32
    %dma_start3A_331 = arith.constant 0 : i32
    %dma_start3A_332 = tpu.memref_slice %arg6[%dma_start3A_329, %dma_start3A_330, %dma_start3A_331] : memref<32x8x128xf32, #tpu.memory_space<vmem>> -> memref<1x8x128xf32, #tpu.memory_space<vmem>>
    %dma_start3A_333 = tpu.memref_squeeze %dma_start3A_332 : memref<1x8x128xf32, #tpu.memory_space<vmem>> -> memref<8x128xf32, #tpu.memory_space<vmem>>
    %dma_start3A_334 = tpu.memref_slice %arg2[%add3A_328, %multiple_of3A_326] : memref<1024x100000xf32, #tpu.memory_space<hbm>> -> memref<8x128xf32, #tpu.memory_space<hbm>>
    %dma_start3A_335 = arith.constant 0 : i32
    %dma_start3A_336 = arith.constant 0 : i32
    %dma_start3A_337 = tpu.memref_slice %arg6[%dma_start3A_329, %dma_start3A_335, %dma_start3A_336] : memref<32x8x128xf32, #tpu.memory_space<vmem>> -> memref<1x8x128xf32, #tpu.memory_space<vmem>>
    %dma_start3A_338 = tpu.memref_squeeze %dma_start3A_337 : memref<1x8x128xf32, #tpu.memory_space<vmem>> -> memref<8x128xf32, #tpu.memory_space<vmem>>
    %dma_start3A_339 = tpu.memref_slice %arg2[%add3A_328, %multiple_of3A_326] : memref<1024x100000xf32, #tpu.memory_space<hbm>> -> memref<8x128xf32, #tpu.memory_space<hbm>>
    tpu.enqueue_dma source(%dma_start3A_339 : memref<8x128xf32, #tpu.memory_space<hbm>>) target(%dma_start3A_338 : memref<8x128xf32, #tpu.memory_space<vmem>>) target_semaphore(%arg8 : memref<!tpu.dma_semaphore, #tpu.memory_space<semaphore_mem>>)
    %slice3A_340 = vector.extract_strided_slice %get3A_319 {offsets = [1], sizes = [1], strides = [1]} : vector<16xi32> to vector<1xi32>
    %squeeze3A_341 = vector.extract %slice3A_340[0] : i32 from vector<1xi32>
    %shift_right_logical3A_342 = arith.constant 7 : i32
    %shift_right_logical3A_343 = arith.shrui %squeeze3A_341, %shift_right_logical3A_342 : i32
    %shift_left3A_344 = arith.constant 7 : i32
    %shift_left3A_345 = arith.shli %shift_right_logical3A_343, %shift_left3A_344 : i32
    %multiple_of3A_346 = tpu.assume_multiple %shift_left3A_345, 128 : i32
    %add3A_347 = arith.constant 16 : i32
    %add3A_348 = arith.addi %mul3A_2, %add3A_347 : i32
    %dma_start3A_349 = arith.constant 17 : i32
    %dma_start3A_350 = arith.constant 0 : i32
    %dma_start3A_351 = arith.constant 0 : i32
    %dma_start3A_352 = tpu.memref_slice %arg6[%dma_start3A_349, %dma_start3A_350, %dma_start3A_351] : memref<32x8x128xf32, #tpu.memory_space<vmem>> -> memref<1x8x128xf32, #tpu.memory_space<vmem>>
    %dma_start3A_353 = tpu.memref_squeeze %dma_start3A_352 : memref<1x8x128xf32, #tpu.memory_space<vmem>> -> memref<8x128xf32, #tpu.memory_space<vmem>>
    %dma_start3A_354 = tpu.memref_slice %arg2[%add3A_348, %multiple_of3A_346] : memref<1024x100000xf32, #tpu.memory_space<hbm>> -> memref<8x128xf32, #tpu.memory_space<hbm>>
    %dma_start3A_355 = arith.constant 0 : i32
    %dma_start3A_356 = arith.constant 0 : i32
    %dma_start3A_357 = tpu.memref_slice %arg6[%dma_start3A_349, %dma_start3A_355, %dma_start3A_356] : memref<32x8x128xf32, #tpu.memory_space<vmem>> -> memref<1x8x128xf32, #tpu.memory_space<vmem>>
    %dma_start3A_358 = tpu.memref_squeeze %dma_start3A_357 : memref<1x8x128xf32, #tpu.memory_space<vmem>> -> memref<8x128xf32, #tpu.memory_space<vmem>>
    %dma_start3A_359 = tpu.memref_slice %arg2[%add3A_348, %multiple_of3A_346] : memref<1024x100000xf32, #tpu.memory_space<hbm>> -> memref<8x128xf32, #tpu.memory_space<hbm>>
    tpu.enqueue_dma source(%dma_start3A_359 : memref<8x128xf32, #tpu.memory_space<hbm>>) target(%dma_start3A_358 : memref<8x128xf32, #tpu.memory_space<vmem>>) target_semaphore(%arg8 : memref<!tpu.dma_semaphore, #tpu.memory_space<semaphore_mem>>)
    %slice3A_360 = vector.extract_strided_slice %get3A_319 {offsets = [2], sizes = [1], strides = [1]} : vector<16xi32> to vector<1xi32>
    %squeeze3A_361 = vector.extract %slice3A_360[0] : i32 from vector<1xi32>
    %shift_right_logical3A_362 = arith.constant 7 : i32
    %shift_right_logical3A_363 = arith.shrui %squeeze3A_361, %shift_right_logical3A_362 : i32
    %shift_left3A_364 = arith.constant 7 : i32
    %shift_left3A_365 = arith.shli %shift_right_logical3A_363, %shift_left3A_364 : i32
    %multiple_of3A_366 = tpu.assume_multiple %shift_left3A_365, 128 : i32
    %add3A_367 = arith.constant 16 : i32
    %add3A_368 = arith.addi %mul3A_2, %add3A_367 : i32
    %dma_start3A_369 = arith.constant 18 : i32
    %dma_start3A_370 = arith.constant 0 : i32
    %dma_start3A_371 = arith.constant 0 : i32
    %dma_start3A_372 = tpu.memref_slice %arg6[%dma_start3A_369, %dma_start3A_370, %dma_start3A_371] : memref<32x8x128xf32, #tpu.memory_space<vmem>> -> memref<1x8x128xf32, #tpu.memory_space<vmem>>
    %dma_start3A_373 = tpu.memref_squeeze %dma_start3A_372 : memref<1x8x128xf32, #tpu.memory_space<vmem>> -> memref<8x128xf32, #tpu.memory_space<vmem>>
    %dma_start3A_374 = tpu.memref_slice %arg2[%add3A_368, %multiple_of3A_366] : memref<1024x100000xf32, #tpu.memory_space<hbm>> -> memref<8x128xf32, #tpu.memory_space<hbm>>
    %dma_start3A_375 = arith.constant 0 : i32
    %dma_start3A_376 = arith.constant 0 : i32
    %dma_start3A_377 = tpu.memref_slice %arg6[%dma_start3A_369, %dma_start3A_375, %dma_start3A_376] : memref<32x8x128xf32, #tpu.memory_space<vmem>> -> memref<1x8x128xf32, #tpu.memory_space<vmem>>
    %dma_start3A_378 = tpu.memref_squeeze %dma_start3A_377 : memref<1x8x128xf32, #tpu.memory_space<vmem>> -> memref<8x128xf32, #tpu.memory_space<vmem>>
    %dma_start3A_379 = tpu.memref_slice %arg2[%add3A_368, %multiple_of3A_366] : memref<1024x100000xf32, #tpu.memory_space<hbm>> -> memref<8x128xf32, #tpu.memory_space<hbm>>
    tpu.enqueue_dma source(%dma_start3A_379 : memref<8x128xf32, #tpu.memory_space<hbm>>) target(%dma_start3A_378 : memref<8x128xf32, #tpu.memory_space<vmem>>) target_semaphore(%arg8 : memref<!tpu.dma_semaphore, #tpu.memory_space<semaphore_mem>>)
    %slice3A_380 = vector.extract_strided_slice %get3A_319 {offsets = [3], sizes = [1], strides = [1]} : vector<16xi32> to vector<1xi32>
    %squeeze3A_381 = vector.extract %slice3A_380[0] : i32 from vector<1xi32>
    %shift_right_logical3A_382 = arith.constant 7 : i32
    %shift_right_logical3A_383 = arith.shrui %squeeze3A_381, %shift_right_logical3A_382 : i32
    %shift_left3A_384 = arith.constant 7 : i32
    %shift_left3A_385 = arith.shli %shift_right_logical3A_383, %shift_left3A_384 : i32
    %multiple_of3A_386 = tpu.assume_multiple %shift_left3A_385, 128 : i32
    %add3A_387 = arith.constant 16 : i32
    %add3A_388 = arith.addi %mul3A_2, %add3A_387 : i32
    %dma_start3A_389 = arith.constant 19 : i32
    %dma_start3A_390 = arith.constant 0 : i32
    %dma_start3A_391 = arith.constant 0 : i32
    %dma_start3A_392 = tpu.memref_slice %arg6[%dma_start3A_389, %dma_start3A_390, %dma_start3A_391] : memref<32x8x128xf32, #tpu.memory_space<vmem>> -> memref<1x8x128xf32, #tpu.memory_space<vmem>>
    %dma_start3A_393 = tpu.memref_squeeze %dma_start3A_392 : memref<1x8x128xf32, #tpu.memory_space<vmem>> -> memref<8x128xf32, #tpu.memory_space<vmem>>
    %dma_start3A_394 = tpu.memref_slice %arg2[%add3A_388, %multiple_of3A_386] : memref<1024x100000xf32, #tpu.memory_space<hbm>> -> memref<8x128xf32, #tpu.memory_space<hbm>>
    %dma_start3A_395 = arith.constant 0 : i32
    %dma_start3A_396 = arith.constant 0 : i32
    %dma_start3A_397 = tpu.memref_slice %arg6[%dma_start3A_389, %dma_start3A_395, %dma_start3A_396] : memref<32x8x128xf32, #tpu.memory_space<vmem>> -> memref<1x8x128xf32, #tpu.memory_space<vmem>>
    %dma_start3A_398 = tpu.memref_squeeze %dma_start3A_397 : memref<1x8x128xf32, #tpu.memory_space<vmem>> -> memref<8x128xf32, #tpu.memory_space<vmem>>
    %dma_start3A_399 = tpu.memref_slice %arg2[%add3A_388, %multiple_of3A_386] : memref<1024x100000xf32, #tpu.memory_space<hbm>> -> memref<8x128xf32, #tpu.memory_space<hbm>>
    tpu.enqueue_dma source(%dma_start3A_399 : memref<8x128xf32, #tpu.memory_space<hbm>>) target(%dma_start3A_398 : memref<8x128xf32, #tpu.memory_space<vmem>>) target_semaphore(%arg8 : memref<!tpu.dma_semaphore, #tpu.memory_space<semaphore_mem>>)
    %slice3A_400 = vector.extract_strided_slice %get3A_319 {offsets = [4], sizes = [1], strides = [1]} : vector<16xi32> to vector<1xi32>
    %squeeze3A_401 = vector.extract %slice3A_400[0] : i32 from vector<1xi32>
    %shift_right_logical3A_402 = arith.constant 7 : i32
    %shift_right_logical3A_403 = arith.shrui %squeeze3A_401, %shift_right_logical3A_402 : i32
    %shift_left3A_404 = arith.constant 7 : i32
    %shift_left3A_405 = arith.shli %shift_right_logical3A_403, %shift_left3A_404 : i32
    %multiple_of3A_406 = tpu.assume_multiple %shift_left3A_405, 128 : i32
    %add3A_407 = arith.constant 16 : i32
    %add3A_408 = arith.addi %mul3A_2, %add3A_407 : i32
    %dma_start3A_409 = arith.constant 20 : i32
    %dma_start3A_410 = arith.constant 0 : i32
    %dma_start3A_411 = arith.constant 0 : i32
    %dma_start3A_412 = tpu.memref_slice %arg6[%dma_start3A_409, %dma_start3A_410, %dma_start3A_411] : memref<32x8x128xf32, #tpu.memory_space<vmem>> -> memref<1x8x128xf32, #tpu.memory_space<vmem>>
    %dma_start3A_413 = tpu.memref_squeeze %dma_start3A_412 : memref<1x8x128xf32, #tpu.memory_space<vmem>> -> memref<8x128xf32, #tpu.memory_space<vmem>>
    %dma_start3A_414 = tpu.memref_slice %arg2[%add3A_408, %multiple_of3A_406] : memref<1024x100000xf32, #tpu.memory_space<hbm>> -> memref<8x128xf32, #tpu.memory_space<hbm>>
    %dma_start3A_415 = arith.constant 0 : i32
    %dma_start3A_416 = arith.constant 0 : i32
    %dma_start3A_417 = tpu.memref_slice %arg6[%dma_start3A_409, %dma_start3A_415, %dma_start3A_416] : memref<32x8x128xf32, #tpu.memory_space<vmem>> -> memref<1x8x128xf32, #tpu.memory_space<vmem>>
    %dma_start3A_418 = tpu.memref_squeeze %dma_start3A_417 : memref<1x8x128xf32, #tpu.memory_space<vmem>> -> memref<8x128xf32, #tpu.memory_space<vmem>>
    %dma_start3A_419 = tpu.memref_slice %arg2[%add3A_408, %multiple_of3A_406] : memref<1024x100000xf32, #tpu.memory_space<hbm>> -> memref<8x128xf32, #tpu.memory_space<hbm>>
    tpu.enqueue_dma source(%dma_start3A_419 : memref<8x128xf32, #tpu.memory_space<hbm>>) target(%dma_start3A_418 : memref<8x128xf32, #tpu.memory_space<vmem>>) target_semaphore(%arg8 : memref<!tpu.dma_semaphore, #tpu.memory_space<semaphore_mem>>)
    %slice3A_420 = vector.extract_strided_slice %get3A_319 {offsets = [5], sizes = [1], strides = [1]} : vector<16xi32> to vector<1xi32>
    %squeeze3A_421 = vector.extract %slice3A_420[0] : i32 from vector<1xi32>
    %shift_right_logical3A_422 = arith.constant 7 : i32
    %shift_right_logical3A_423 = arith.shrui %squeeze3A_421, %shift_right_logical3A_422 : i32
    %shift_left3A_424 = arith.constant 7 : i32
    %shift_left3A_425 = arith.shli %shift_right_logical3A_423, %shift_left3A_424 : i32
    %multiple_of3A_426 = tpu.assume_multiple %shift_left3A_425, 128 : i32
    %add3A_427 = arith.constant 16 : i32
    %add3A_428 = arith.addi %mul3A_2, %add3A_427 : i32
    %dma_start3A_429 = arith.constant 21 : i32
    %dma_start3A_430 = arith.constant 0 : i32
    %dma_start3A_431 = arith.constant 0 : i32
    %dma_start3A_432 = tpu.memref_slice %arg6[%dma_start3A_429, %dma_start3A_430, %dma_start3A_431] : memref<32x8x128xf32, #tpu.memory_space<vmem>> -> memref<1x8x128xf32, #tpu.memory_space<vmem>>
    %dma_start3A_433 = tpu.memref_squeeze %dma_start3A_432 : memref<1x8x128xf32, #tpu.memory_space<vmem>> -> memref<8x128xf32, #tpu.memory_space<vmem>>
    %dma_start3A_434 = tpu.memref_slice %arg2[%add3A_428, %multiple_of3A_426] : memref<1024x100000xf32, #tpu.memory_space<hbm>> -> memref<8x128xf32, #tpu.memory_space<hbm>>
    %dma_start3A_435 = arith.constant 0 : i32
    %dma_start3A_436 = arith.constant 0 : i32
    %dma_start3A_437 = tpu.memref_slice %arg6[%dma_start3A_429, %dma_start3A_435, %dma_start3A_436] : memref<32x8x128xf32, #tpu.memory_space<vmem>> -> memref<1x8x128xf32, #tpu.memory_space<vmem>>
    %dma_start3A_438 = tpu.memref_squeeze %dma_start3A_437 : memref<1x8x128xf32, #tpu.memory_space<vmem>> -> memref<8x128xf32, #tpu.memory_space<vmem>>
    %dma_start3A_439 = tpu.memref_slice %arg2[%add3A_428, %multiple_of3A_426] : memref<1024x100000xf32, #tpu.memory_space<hbm>> -> memref<8x128xf32, #tpu.memory_space<hbm>>
    tpu.enqueue_dma source(%dma_start3A_439 : memref<8x128xf32, #tpu.memory_space<hbm>>) target(%dma_start3A_438 : memref<8x128xf32, #tpu.memory_space<vmem>>) target_semaphore(%arg8 : memref<!tpu.dma_semaphore, #tpu.memory_space<semaphore_mem>>)
    %slice3A_440 = vector.extract_strided_slice %get3A_319 {offsets = [6], sizes = [1], strides = [1]} : vector<16xi32> to vector<1xi32>
    %squeeze3A_441 = vector.extract %slice3A_440[0] : i32 from vector<1xi32>
    %shift_right_logical3A_442 = arith.constant 7 : i32
    %shift_right_logical3A_443 = arith.shrui %squeeze3A_441, %shift_right_logical3A_442 : i32
    %shift_left3A_444 = arith.constant 7 : i32
    %shift_left3A_445 = arith.shli %shift_right_logical3A_443, %shift_left3A_444 : i32
    %multiple_of3A_446 = tpu.assume_multiple %shift_left3A_445, 128 : i32
    %add3A_447 = arith.constant 16 : i32
    %add3A_448 = arith.addi %mul3A_2, %add3A_447 : i32
    %dma_start3A_449 = arith.constant 22 : i32
    %dma_start3A_450 = arith.constant 0 : i32
    %dma_start3A_451 = arith.constant 0 : i32
    %dma_start3A_452 = tpu.memref_slice %arg6[%dma_start3A_449, %dma_start3A_450, %dma_start3A_451] : memref<32x8x128xf32, #tpu.memory_space<vmem>> -> memref<1x8x128xf32, #tpu.memory_space<vmem>>
    %dma_start3A_453 = tpu.memref_squeeze %dma_start3A_452 : memref<1x8x128xf32, #tpu.memory_space<vmem>> -> memref<8x128xf32, #tpu.memory_space<vmem>>
    %dma_start3A_454 = tpu.memref_slice %arg2[%add3A_448, %multiple_of3A_446] : memref<1024x100000xf32, #tpu.memory_space<hbm>> -> memref<8x128xf32, #tpu.memory_space<hbm>>
    %dma_start3A_455 = arith.constant 0 : i32
    %dma_start3A_456 = arith.constant 0 : i32
    %dma_start3A_457 = tpu.memref_slice %arg6[%dma_start3A_449, %dma_start3A_455, %dma_start3A_456] : memref<32x8x128xf32, #tpu.memory_space<vmem>> -> memref<1x8x128xf32, #tpu.memory_space<vmem>>
    %dma_start3A_458 = tpu.memref_squeeze %dma_start3A_457 : memref<1x8x128xf32, #tpu.memory_space<vmem>> -> memref<8x128xf32, #tpu.memory_space<vmem>>
    %dma_start3A_459 = tpu.memref_slice %arg2[%add3A_448, %multiple_of3A_446] : memref<1024x100000xf32, #tpu.memory_space<hbm>> -> memref<8x128xf32, #tpu.memory_space<hbm>>
    tpu.enqueue_dma source(%dma_start3A_459 : memref<8x128xf32, #tpu.memory_space<hbm>>) target(%dma_start3A_458 : memref<8x128xf32, #tpu.memory_space<vmem>>) target_semaphore(%arg8 : memref<!tpu.dma_semaphore, #tpu.memory_space<semaphore_mem>>)
    %slice3A_460 = vector.extract_strided_slice %get3A_319 {offsets = [7], sizes = [1], strides = [1]} : vector<16xi32> to vector<1xi32>
    %squeeze3A_461 = vector.extract %slice3A_460[0] : i32 from vector<1xi32>
    %shift_right_logical3A_462 = arith.constant 7 : i32
    %shift_right_logical3A_463 = arith.shrui %squeeze3A_461, %shift_right_logical3A_462 : i32
    %shift_left3A_464 = arith.constant 7 : i32
    %shift_left3A_465 = arith.shli %shift_right_logical3A_463, %shift_left3A_464 : i32
    %multiple_of3A_466 = tpu.assume_multiple %shift_left3A_465, 128 : i32
    %add3A_467 = arith.constant 16 : i32
    %add3A_468 = arith.addi %mul3A_2, %add3A_467 : i32
    %dma_start3A_469 = arith.constant 23 : i32
    %dma_start3A_470 = arith.constant 0 : i32
    %dma_start3A_471 = arith.constant 0 : i32
    %dma_start3A_472 = tpu.memref_slice %arg6[%dma_start3A_469, %dma_start3A_470, %dma_start3A_471] : memref<32x8x128xf32, #tpu.memory_space<vmem>> -> memref<1x8x128xf32, #tpu.memory_space<vmem>>
    %dma_start3A_473 = tpu.memref_squeeze %dma_start3A_472 : memref<1x8x128xf32, #tpu.memory_space<vmem>> -> memref<8x128xf32, #tpu.memory_space<vmem>>
    %dma_start3A_474 = tpu.memref_slice %arg2[%add3A_468, %multiple_of3A_466] : memref<1024x100000xf32, #tpu.memory_space<hbm>> -> memref<8x128xf32, #tpu.memory_space<hbm>>
    %dma_start3A_475 = arith.constant 0 : i32
    %dma_start3A_476 = arith.constant 0 : i32
    %dma_start3A_477 = tpu.memref_slice %arg6[%dma_start3A_469, %dma_start3A_475, %dma_start3A_476] : memref<32x8x128xf32, #tpu.memory_space<vmem>> -> memref<1x8x128xf32, #tpu.memory_space<vmem>>
    %dma_start3A_478 = tpu.memref_squeeze %dma_start3A_477 : memref<1x8x128xf32, #tpu.memory_space<vmem>> -> memref<8x128xf32, #tpu.memory_space<vmem>>
    %dma_start3A_479 = tpu.memref_slice %arg2[%add3A_468, %multiple_of3A_466] : memref<1024x100000xf32, #tpu.memory_space<hbm>> -> memref<8x128xf32, #tpu.memory_space<hbm>>
    tpu.enqueue_dma source(%dma_start3A_479 : memref<8x128xf32, #tpu.memory_space<hbm>>) target(%dma_start3A_478 : memref<8x128xf32, #tpu.memory_space<vmem>>) target_semaphore(%arg8 : memref<!tpu.dma_semaphore, #tpu.memory_space<semaphore_mem>>)
    %slice3A_480 = vector.extract_strided_slice %get3A_319 {offsets = [8], sizes = [1], strides = [1]} : vector<16xi32> to vector<1xi32>
    %squeeze3A_481 = vector.extract %slice3A_480[0] : i32 from vector<1xi32>
    %shift_right_logical3A_482 = arith.constant 7 : i32
    %shift_right_logical3A_483 = arith.shrui %squeeze3A_481, %shift_right_logical3A_482 : i32
    %shift_left3A_484 = arith.constant 7 : i32
    %shift_left3A_485 = arith.shli %shift_right_logical3A_483, %shift_left3A_484 : i32
    %multiple_of3A_486 = tpu.assume_multiple %shift_left3A_485, 128 : i32
    %add3A_487 = arith.constant 24 : i32
    %add3A_488 = arith.addi %mul3A_2, %add3A_487 : i32
    %dma_start3A_489 = arith.constant 24 : i32
    %dma_start3A_490 = arith.constant 0 : i32
    %dma_start3A_491 = arith.constant 0 : i32
    %dma_start3A_492 = tpu.memref_slice %arg6[%dma_start3A_489, %dma_start3A_490, %dma_start3A_491] : memref<32x8x128xf32, #tpu.memory_space<vmem>> -> memref<1x8x128xf32, #tpu.memory_space<vmem>>
    %dma_start3A_493 = tpu.memref_squeeze %dma_start3A_492 : memref<1x8x128xf32, #tpu.memory_space<vmem>> -> memref<8x128xf32, #tpu.memory_space<vmem>>
    %dma_start3A_494 = tpu.memref_slice %arg2[%add3A_488, %multiple_of3A_486] : memref<1024x100000xf32, #tpu.memory_space<hbm>> -> memref<8x128xf32, #tpu.memory_space<hbm>>
    %dma_start3A_495 = arith.constant 0 : i32
    %dma_start3A_496 = arith.constant 0 : i32
    %dma_start3A_497 = tpu.memref_slice %arg6[%dma_start3A_489, %dma_start3A_495, %dma_start3A_496] : memref<32x8x128xf32, #tpu.memory_space<vmem>> -> memref<1x8x128xf32, #tpu.memory_space<vmem>>
    %dma_start3A_498 = tpu.memref_squeeze %dma_start3A_497 : memref<1x8x128xf32, #tpu.memory_space<vmem>> -> memref<8x128xf32, #tpu.memory_space<vmem>>
    %dma_start3A_499 = tpu.memref_slice %arg2[%add3A_488, %multiple_of3A_486] : memref<1024x100000xf32, #tpu.memory_space<hbm>> -> memref<8x128xf32, #tpu.memory_space<hbm>>
    tpu.enqueue_dma source(%dma_start3A_499 : memref<8x128xf32, #tpu.memory_space<hbm>>) target(%dma_start3A_498 : memref<8x128xf32, #tpu.memory_space<vmem>>) target_semaphore(%arg8 : memref<!tpu.dma_semaphore, #tpu.memory_space<semaphore_mem>>)
    %slice3A_500 = vector.extract_strided_slice %get3A_319 {offsets = [9], sizes = [1], strides = [1]} : vector<16xi32> to vector<1xi32>
    %squeeze3A_501 = vector.extract %slice3A_500[0] : i32 from vector<1xi32>
    %shift_right_logical3A_502 = arith.constant 7 : i32
    %shift_right_logical3A_503 = arith.shrui %squeeze3A_501, %shift_right_logical3A_502 : i32
    %shift_left3A_504 = arith.constant 7 : i32
    %shift_left3A_505 = arith.shli %shift_right_logical3A_503, %shift_left3A_504 : i32
    %multiple_of3A_506 = tpu.assume_multiple %shift_left3A_505, 128 : i32
    %add3A_507 = arith.constant 24 : i32
    %add3A_508 = arith.addi %mul3A_2, %add3A_507 : i32
    %dma_start3A_509 = arith.constant 25 : i32
    %dma_start3A_510 = arith.constant 0 : i32
    %dma_start3A_511 = arith.constant 0 : i32
    %dma_start3A_512 = tpu.memref_slice %arg6[%dma_start3A_509, %dma_start3A_510, %dma_start3A_511] : memref<32x8x128xf32, #tpu.memory_space<vmem>> -> memref<1x8x128xf32, #tpu.memory_space<vmem>>
    %dma_start3A_513 = tpu.memref_squeeze %dma_start3A_512 : memref<1x8x128xf32, #tpu.memory_space<vmem>> -> memref<8x128xf32, #tpu.memory_space<vmem>>
    %dma_start3A_514 = tpu.memref_slice %arg2[%add3A_508, %multiple_of3A_506] : memref<1024x100000xf32, #tpu.memory_space<hbm>> -> memref<8x128xf32, #tpu.memory_space<hbm>>
    %dma_start3A_515 = arith.constant 0 : i32
    %dma_start3A_516 = arith.constant 0 : i32
    %dma_start3A_517 = tpu.memref_slice %arg6[%dma_start3A_509, %dma_start3A_515, %dma_start3A_516] : memref<32x8x128xf32, #tpu.memory_space<vmem>> -> memref<1x8x128xf32, #tpu.memory_space<vmem>>
    %dma_start3A_518 = tpu.memref_squeeze %dma_start3A_517 : memref<1x8x128xf32, #tpu.memory_space<vmem>> -> memref<8x128xf32, #tpu.memory_space<vmem>>
    %dma_start3A_519 = tpu.memref_slice %arg2[%add3A_508, %multiple_of3A_506] : memref<1024x100000xf32, #tpu.memory_space<hbm>> -> memref<8x128xf32, #tpu.memory_space<hbm>>
    tpu.enqueue_dma source(%dma_start3A_519 : memref<8x128xf32, #tpu.memory_space<hbm>>) target(%dma_start3A_518 : memref<8x128xf32, #tpu.memory_space<vmem>>) target_semaphore(%arg8 : memref<!tpu.dma_semaphore, #tpu.memory_space<semaphore_mem>>)
    %slice3A_520 = vector.extract_strided_slice %get3A_319 {offsets = [10], sizes = [1], strides = [1]} : vector<16xi32> to vector<1xi32>
    %squeeze3A_521 = vector.extract %slice3A_520[0] : i32 from vector<1xi32>
    %shift_right_logical3A_522 = arith.constant 7 : i32
    %shift_right_logical3A_523 = arith.shrui %squeeze3A_521, %shift_right_logical3A_522 : i32
    %shift_left3A_524 = arith.constant 7 : i32
    %shift_left3A_525 = arith.shli %shift_right_logical3A_523, %shift_left3A_524 : i32
    %multiple_of3A_526 = tpu.assume_multiple %shift_left3A_525, 128 : i32
    %add3A_527 = arith.constant 24 : i32
    %add3A_528 = arith.addi %mul3A_2, %add3A_527 : i32
    %dma_start3A_529 = arith.constant 26 : i32
    %dma_start3A_530 = arith.constant 0 : i32
    %dma_start3A_531 = arith.constant 0 : i32
    %dma_start3A_532 = tpu.memref_slice %arg6[%dma_start3A_529, %dma_start3A_530, %dma_start3A_531] : memref<32x8x128xf32, #tpu.memory_space<vmem>> -> memref<1x8x128xf32, #tpu.memory_space<vmem>>
    %dma_start3A_533 = tpu.memref_squeeze %dma_start3A_532 : memref<1x8x128xf32, #tpu.memory_space<vmem>> -> memref<8x128xf32, #tpu.memory_space<vmem>>
    %dma_start3A_534 = tpu.memref_slice %arg2[%add3A_528, %multiple_of3A_526] : memref<1024x100000xf32, #tpu.memory_space<hbm>> -> memref<8x128xf32, #tpu.memory_space<hbm>>
    %dma_start3A_535 = arith.constant 0 : i32
    %dma_start3A_536 = arith.constant 0 : i32
    %dma_start3A_537 = tpu.memref_slice %arg6[%dma_start3A_529, %dma_start3A_535, %dma_start3A_536] : memref<32x8x128xf32, #tpu.memory_space<vmem>> -> memref<1x8x128xf32, #tpu.memory_space<vmem>>
    %dma_start3A_538 = tpu.memref_squeeze %dma_start3A_537 : memref<1x8x128xf32, #tpu.memory_space<vmem>> -> memref<8x128xf32, #tpu.memory_space<vmem>>
    %dma_start3A_539 = tpu.memref_slice %arg2[%add3A_528, %multiple_of3A_526] : memref<1024x100000xf32, #tpu.memory_space<hbm>> -> memref<8x128xf32, #tpu.memory_space<hbm>>
    tpu.enqueue_dma source(%dma_start3A_539 : memref<8x128xf32, #tpu.memory_space<hbm>>) target(%dma_start3A_538 : memref<8x128xf32, #tpu.memory_space<vmem>>) target_semaphore(%arg8 : memref<!tpu.dma_semaphore, #tpu.memory_space<semaphore_mem>>)
    %slice3A_540 = vector.extract_strided_slice %get3A_319 {offsets = [11], sizes = [1], strides = [1]} : vector<16xi32> to vector<1xi32>
    %squeeze3A_541 = vector.extract %slice3A_540[0] : i32 from vector<1xi32>
    %shift_right_logical3A_542 = arith.constant 7 : i32
    %shift_right_logical3A_543 = arith.shrui %squeeze3A_541, %shift_right_logical3A_542 : i32
    %shift_left3A_544 = arith.constant 7 : i32
    %shift_left3A_545 = arith.shli %shift_right_logical3A_543, %shift_left3A_544 : i32
    %multiple_of3A_546 = tpu.assume_multiple %shift_left3A_545, 128 : i32
    %add3A_547 = arith.constant 24 : i32
    %add3A_548 = arith.addi %mul3A_2, %add3A_547 : i32
    %dma_start3A_549 = arith.constant 27 : i32
    %dma_start3A_550 = arith.constant 0 : i32
    %dma_start3A_551 = arith.constant 0 : i32
    %dma_start3A_552 = tpu.memref_slice %arg6[%dma_start3A_549, %dma_start3A_550, %dma_start3A_551] : memref<32x8x128xf32, #tpu.memory_space<vmem>> -> memref<1x8x128xf32, #tpu.memory_space<vmem>>
    %dma_start3A_553 = tpu.memref_squeeze %dma_start3A_552 : memref<1x8x128xf32, #tpu.memory_space<vmem>> -> memref<8x128xf32, #tpu.memory_space<vmem>>
    %dma_start3A_554 = tpu.memref_slice %arg2[%add3A_548, %multiple_of3A_546] : memref<1024x100000xf32, #tpu.memory_space<hbm>> -> memref<8x128xf32, #tpu.memory_space<hbm>>
    %dma_start3A_555 = arith.constant 0 : i32
    %dma_start3A_556 = arith.constant 0 : i32
    %dma_start3A_557 = tpu.memref_slice %arg6[%dma_start3A_549, %dma_start3A_555, %dma_start3A_556] : memref<32x8x128xf32, #tpu.memory_space<vmem>> -> memref<1x8x128xf32, #tpu.memory_space<vmem>>
    %dma_start3A_558 = tpu.memref_squeeze %dma_start3A_557 : memref<1x8x128xf32, #tpu.memory_space<vmem>> -> memref<8x128xf32, #tpu.memory_space<vmem>>
    %dma_start3A_559 = tpu.memref_slice %arg2[%add3A_548, %multiple_of3A_546] : memref<1024x100000xf32, #tpu.memory_space<hbm>> -> memref<8x128xf32, #tpu.memory_space<hbm>>
    tpu.enqueue_dma source(%dma_start3A_559 : memref<8x128xf32, #tpu.memory_space<hbm>>) target(%dma_start3A_558 : memref<8x128xf32, #tpu.memory_space<vmem>>) target_semaphore(%arg8 : memref<!tpu.dma_semaphore, #tpu.memory_space<semaphore_mem>>)
    %slice3A_560 = vector.extract_strided_slice %get3A_319 {offsets = [12], sizes = [1], strides = [1]} : vector<16xi32> to vector<1xi32>
    %squeeze3A_561 = vector.extract %slice3A_560[0] : i32 from vector<1xi32>
    %shift_right_logical3A_562 = arith.constant 7 : i32
    %shift_right_logical3A_563 = arith.shrui %squeeze3A_561, %shift_right_logical3A_562 : i32
    %shift_left3A_564 = arith.constant 7 : i32
    %shift_left3A_565 = arith.shli %shift_right_logical3A_563, %shift_left3A_564 : i32
    %multiple_of3A_566 = tpu.assume_multiple %shift_left3A_565, 128 : i32
    %add3A_567 = arith.constant 24 : i32
    %add3A_568 = arith.addi %mul3A_2, %add3A_567 : i32
    %dma_start3A_569 = arith.constant 28 : i32
    %dma_start3A_570 = arith.constant 0 : i32
    %dma_start3A_571 = arith.constant 0 : i32
    %dma_start3A_572 = tpu.memref_slice %arg6[%dma_start3A_569, %dma_start3A_570, %dma_start3A_571] : memref<32x8x128xf32, #tpu.memory_space<vmem>> -> memref<1x8x128xf32, #tpu.memory_space<vmem>>
    %dma_start3A_573 = tpu.memref_squeeze %dma_start3A_572 : memref<1x8x128xf32, #tpu.memory_space<vmem>> -> memref<8x128xf32, #tpu.memory_space<vmem>>
    %dma_start3A_574 = tpu.memref_slice %arg2[%add3A_568, %multiple_of3A_566] : memref<1024x100000xf32, #tpu.memory_space<hbm>> -> memref<8x128xf32, #tpu.memory_space<hbm>>
    %dma_start3A_575 = arith.constant 0 : i32
    %dma_start3A_576 = arith.constant 0 : i32
    %dma_start3A_577 = tpu.memref_slice %arg6[%dma_start3A_569, %dma_start3A_575, %dma_start3A_576] : memref<32x8x128xf32, #tpu.memory_space<vmem>> -> memref<1x8x128xf32, #tpu.memory_space<vmem>>
    %dma_start3A_578 = tpu.memref_squeeze %dma_start3A_577 : memref<1x8x128xf32, #tpu.memory_space<vmem>> -> memref<8x128xf32, #tpu.memory_space<vmem>>
    %dma_start3A_579 = tpu.memref_slice %arg2[%add3A_568, %multiple_of3A_566] : memref<1024x100000xf32, #tpu.memory_space<hbm>> -> memref<8x128xf32, #tpu.memory_space<hbm>>
    tpu.enqueue_dma source(%dma_start3A_579 : memref<8x128xf32, #tpu.memory_space<hbm>>) target(%dma_start3A_578 : memref<8x128xf32, #tpu.memory_space<vmem>>) target_semaphore(%arg8 : memref<!tpu.dma_semaphore, #tpu.memory_space<semaphore_mem>>)
    %slice3A_580 = vector.extract_strided_slice %get3A_319 {offsets = [13], sizes = [1], strides = [1]} : vector<16xi32> to vector<1xi32>
    %squeeze3A_581 = vector.extract %slice3A_580[0] : i32 from vector<1xi32>
    %shift_right_logical3A_582 = arith.constant 7 : i32
    %shift_right_logical3A_583 = arith.shrui %squeeze3A_581, %shift_right_logical3A_582 : i32
    %shift_left3A_584 = arith.constant 7 : i32
    %shift_left3A_585 = arith.shli %shift_right_logical3A_583, %shift_left3A_584 : i32
    %multiple_of3A_586 = tpu.assume_multiple %shift_left3A_585, 128 : i32
    %add3A_587 = arith.constant 24 : i32
    %add3A_588 = arith.addi %mul3A_2, %add3A_587 : i32
    %dma_start3A_589 = arith.constant 29 : i32
    %dma_start3A_590 = arith.constant 0 : i32
    %dma_start3A_591 = arith.constant 0 : i32
    %dma_start3A_592 = tpu.memref_slice %arg6[%dma_start3A_589, %dma_start3A_590, %dma_start3A_591] : memref<32x8x128xf32, #tpu.memory_space<vmem>> -> memref<1x8x128xf32, #tpu.memory_space<vmem>>
    %dma_start3A_593 = tpu.memref_squeeze %dma_start3A_592 : memref<1x8x128xf32, #tpu.memory_space<vmem>> -> memref<8x128xf32, #tpu.memory_space<vmem>>
    %dma_start3A_594 = tpu.memref_slice %arg2[%add3A_588, %multiple_of3A_586] : memref<1024x100000xf32, #tpu.memory_space<hbm>> -> memref<8x128xf32, #tpu.memory_space<hbm>>
    %dma_start3A_595 = arith.constant 0 : i32
    %dma_start3A_596 = arith.constant 0 : i32
    %dma_start3A_597 = tpu.memref_slice %arg6[%dma_start3A_589, %dma_start3A_595, %dma_start3A_596] : memref<32x8x128xf32, #tpu.memory_space<vmem>> -> memref<1x8x128xf32, #tpu.memory_space<vmem>>
    %dma_start3A_598 = tpu.memref_squeeze %dma_start3A_597 : memref<1x8x128xf32, #tpu.memory_space<vmem>> -> memref<8x128xf32, #tpu.memory_space<vmem>>
    %dma_start3A_599 = tpu.memref_slice %arg2[%add3A_588, %multiple_of3A_586] : memref<1024x100000xf32, #tpu.memory_space<hbm>> -> memref<8x128xf32, #tpu.memory_space<hbm>>
    tpu.enqueue_dma source(%dma_start3A_599 : memref<8x128xf32, #tpu.memory_space<hbm>>) target(%dma_start3A_598 : memref<8x128xf32, #tpu.memory_space<vmem>>) target_semaphore(%arg8 : memref<!tpu.dma_semaphore, #tpu.memory_space<semaphore_mem>>)
    %slice3A_600 = vector.extract_strided_slice %get3A_319 {offsets = [14], sizes = [1], strides = [1]} : vector<16xi32> to vector<1xi32>
    %squeeze3A_601 = vector.extract %slice3A_600[0] : i32 from vector<1xi32>
    %shift_right_logical3A_602 = arith.constant 7 : i32
    %shift_right_logical3A_603 = arith.shrui %squeeze3A_601, %shift_right_logical3A_602 : i32
    %shift_left3A_604 = arith.constant 7 : i32
    %shift_left3A_605 = arith.shli %shift_right_logical3A_603, %shift_left3A_604 : i32
    %multiple_of3A_606 = tpu.assume_multiple %shift_left3A_605, 128 : i32
    %add3A_607 = arith.constant 24 : i32
    %add3A_608 = arith.addi %mul3A_2, %add3A_607 : i32
    %dma_start3A_609 = arith.constant 30 : i32
    %dma_start3A_610 = arith.constant 0 : i32
    %dma_start3A_611 = arith.constant 0 : i32
    %dma_start3A_612 = tpu.memref_slice %arg6[%dma_start3A_609, %dma_start3A_610, %dma_start3A_611] : memref<32x8x128xf32, #tpu.memory_space<vmem>> -> memref<1x8x128xf32, #tpu.memory_space<vmem>>
    %dma_start3A_613 = tpu.memref_squeeze %dma_start3A_612 : memref<1x8x128xf32, #tpu.memory_space<vmem>> -> memref<8x128xf32, #tpu.memory_space<vmem>>
    %dma_start3A_614 = tpu.memref_slice %arg2[%add3A_608, %multiple_of3A_606] : memref<1024x100000xf32, #tpu.memory_space<hbm>> -> memref<8x128xf32, #tpu.memory_space<hbm>>
    %dma_start3A_615 = arith.constant 0 : i32
    %dma_start3A_616 = arith.constant 0 : i32
    %dma_start3A_617 = tpu.memref_slice %arg6[%dma_start3A_609, %dma_start3A_615, %dma_start3A_616] : memref<32x8x128xf32, #tpu.memory_space<vmem>> -> memref<1x8x128xf32, #tpu.memory_space<vmem>>
    %dma_start3A_618 = tpu.memref_squeeze %dma_start3A_617 : memref<1x8x128xf32, #tpu.memory_space<vmem>> -> memref<8x128xf32, #tpu.memory_space<vmem>>
    %dma_start3A_619 = tpu.memref_slice %arg2[%add3A_608, %multiple_of3A_606] : memref<1024x100000xf32, #tpu.memory_space<hbm>> -> memref<8x128xf32, #tpu.memory_space<hbm>>
    tpu.enqueue_dma source(%dma_start3A_619 : memref<8x128xf32, #tpu.memory_space<hbm>>) target(%dma_start3A_618 : memref<8x128xf32, #tpu.memory_space<vmem>>) target_semaphore(%arg8 : memref<!tpu.dma_semaphore, #tpu.memory_space<semaphore_mem>>)
    %slice3A_620 = vector.extract_strided_slice %get3A_319 {offsets = [15], sizes = [1], strides = [1]} : vector<16xi32> to vector<1xi32>
    %squeeze3A_621 = vector.extract %slice3A_620[0] : i32 from vector<1xi32>
    %shift_right_logical3A_622 = arith.constant 7 : i32
    %shift_right_logical3A_623 = arith.shrui %squeeze3A_621, %shift_right_logical3A_622 : i32
    %shift_left3A_624 = arith.constant 7 : i32
    %shift_left3A_625 = arith.shli %shift_right_logical3A_623, %shift_left3A_624 : i32
    %multiple_of3A_626 = tpu.assume_multiple %shift_left3A_625, 128 : i32
    %add3A_627 = arith.constant 24 : i32
    %add3A_628 = arith.addi %mul3A_2, %add3A_627 : i32
    %dma_start3A_629 = arith.constant 31 : i32
    %dma_start3A_630 = arith.constant 0 : i32
    %dma_start3A_631 = arith.constant 0 : i32
    %dma_start3A_632 = tpu.memref_slice %arg6[%dma_start3A_629, %dma_start3A_630, %dma_start3A_631] : memref<32x8x128xf32, #tpu.memory_space<vmem>> -> memref<1x8x128xf32, #tpu.memory_space<vmem>>
    %dma_start3A_633 = tpu.memref_squeeze %dma_start3A_632 : memref<1x8x128xf32, #tpu.memory_space<vmem>> -> memref<8x128xf32, #tpu.memory_space<vmem>>
    %dma_start3A_634 = tpu.memref_slice %arg2[%add3A_628, %multiple_of3A_626] : memref<1024x100000xf32, #tpu.memory_space<hbm>> -> memref<8x128xf32, #tpu.memory_space<hbm>>
    %dma_start3A_635 = arith.constant 0 : i32
    %dma_start3A_636 = arith.constant 0 : i32
    %dma_start3A_637 = tpu.memref_slice %arg6[%dma_start3A_629, %dma_start3A_635, %dma_start3A_636] : memref<32x8x128xf32, #tpu.memory_space<vmem>> -> memref<1x8x128xf32, #tpu.memory_space<vmem>>
    %dma_start3A_638 = tpu.memref_squeeze %dma_start3A_637 : memref<1x8x128xf32, #tpu.memory_space<vmem>> -> memref<8x128xf32, #tpu.memory_space<vmem>>
    %dma_start3A_639 = tpu.memref_slice %arg2[%add3A_628, %multiple_of3A_626] : memref<1024x100000xf32, #tpu.memory_space<hbm>> -> memref<8x128xf32, #tpu.memory_space<hbm>>
    tpu.enqueue_dma source(%dma_start3A_639 : memref<8x128xf32, #tpu.memory_space<hbm>>) target(%dma_start3A_638 : memref<8x128xf32, #tpu.memory_space<vmem>>) target_semaphore(%arg8 : memref<!tpu.dma_semaphore, #tpu.memory_space<semaphore_mem>>)
    %dma_wait3A = arith.constant 0 : i32
    %dma_wait3A_640 = arith.constant 0 : i32
    %dma_wait3A_641 = arith.constant 0 : i32
    %dma_wait3A_642 = tpu.memref_slice %arg6[%dma_wait3A, %dma_wait3A_640, %dma_wait3A_641] : memref<32x8x128xf32, #tpu.memory_space<vmem>> -> memref<1x8x128xf32, #tpu.memory_space<vmem>>
    %dma_wait3A_643 = tpu.memref_squeeze %dma_wait3A_642 : memref<1x8x128xf32, #tpu.memory_space<vmem>> -> memref<8x128xf32, #tpu.memory_space<vmem>>
    %dma_wait3A_644 = tpu.memref_slice %arg2[%add3A_7, %multiple_of3A] : memref<1024x100000xf32, #tpu.memory_space<hbm>> -> memref<8x128xf32, #tpu.memory_space<hbm>>
    %dma_wait3A_645 = arith.constant 0 : i32
    %dma_wait3A_646 = arith.constant 0 : i32
    %dma_wait3A_647 = tpu.memref_slice %arg6[%dma_wait3A, %dma_wait3A_645, %dma_wait3A_646] : memref<32x8x128xf32, #tpu.memory_space<vmem>> -> memref<1x8x128xf32, #tpu.memory_space<vmem>>
    %dma_wait3A_648 = tpu.memref_squeeze %dma_wait3A_647 : memref<1x8x128xf32, #tpu.memory_space<vmem>> -> memref<8x128xf32, #tpu.memory_space<vmem>>
    %dma_wait3A_649 = tpu.memref_slice %arg2[%add3A_7, %multiple_of3A] : memref<1024x100000xf32, #tpu.memory_space<hbm>> -> memref<8x128xf32, #tpu.memory_space<hbm>>
    tpu.wait_dma2 semaphore(%arg8 : memref<!tpu.dma_semaphore, #tpu.memory_space<semaphore_mem>>) src(%dma_wait3A_649 : memref<8x128xf32, #tpu.memory_space<hbm>>) dst(%dma_wait3A_648 : memref<8x128xf32, #tpu.memory_space<vmem>>)
    %dma_wait3A_650 = arith.constant 1 : i32
    %dma_wait3A_651 = arith.constant 0 : i32
    %dma_wait3A_652 = arith.constant 0 : i32
    %dma_wait3A_653 = tpu.memref_slice %arg6[%dma_wait3A_650, %dma_wait3A_651, %dma_wait3A_652] : memref<32x8x128xf32, #tpu.memory_space<vmem>> -> memref<1x8x128xf32, #tpu.memory_space<vmem>>
    %dma_wait3A_654 = tpu.memref_squeeze %dma_wait3A_653 : memref<1x8x128xf32, #tpu.memory_space<vmem>> -> memref<8x128xf32, #tpu.memory_space<vmem>>
    %dma_wait3A_655 = tpu.memref_slice %arg2[%add3A_26, %multiple_of3A_24] : memref<1024x100000xf32, #tpu.memory_space<hbm>> -> memref<8x128xf32, #tpu.memory_space<hbm>>
    %dma_wait3A_656 = arith.constant 0 : i32
    %dma_wait3A_657 = arith.constant 0 : i32
    %dma_wait3A_658 = tpu.memref_slice %arg6[%dma_wait3A_650, %dma_wait3A_656, %dma_wait3A_657] : memref<32x8x128xf32, #tpu.memory_space<vmem>> -> memref<1x8x128xf32, #tpu.memory_space<vmem>>
    %dma_wait3A_659 = tpu.memref_squeeze %dma_wait3A_658 : memref<1x8x128xf32, #tpu.memory_space<vmem>> -> memref<8x128xf32, #tpu.memory_space<vmem>>
    %dma_wait3A_660 = tpu.memref_slice %arg2[%add3A_26, %multiple_of3A_24] : memref<1024x100000xf32, #tpu.memory_space<hbm>> -> memref<8x128xf32, #tpu.memory_space<hbm>>
    tpu.wait_dma2 semaphore(%arg8 : memref<!tpu.dma_semaphore, #tpu.memory_space<semaphore_mem>>) src(%dma_wait3A_660 : memref<8x128xf32, #tpu.memory_space<hbm>>) dst(%dma_wait3A_659 : memref<8x128xf32, #tpu.memory_space<vmem>>)
    %dma_wait3A_661 = arith.constant 2 : i32
    %dma_wait3A_662 = arith.constant 0 : i32
    %dma_wait3A_663 = arith.constant 0 : i32
    %dma_wait3A_664 = tpu.memref_slice %arg6[%dma_wait3A_661, %dma_wait3A_662, %dma_wait3A_663] : memref<32x8x128xf32, #tpu.memory_space<vmem>> -> memref<1x8x128xf32, #tpu.memory_space<vmem>>
    %dma_wait3A_665 = tpu.memref_squeeze %dma_wait3A_664 : memref<1x8x128xf32, #tpu.memory_space<vmem>> -> memref<8x128xf32, #tpu.memory_space<vmem>>
    %dma_wait3A_666 = tpu.memref_slice %arg2[%add3A_46, %multiple_of3A_44] : memref<1024x100000xf32, #tpu.memory_space<hbm>> -> memref<8x128xf32, #tpu.memory_space<hbm>>
    %dma_wait3A_667 = arith.constant 0 : i32
    %dma_wait3A_668 = arith.constant 0 : i32
    %dma_wait3A_669 = tpu.memref_slice %arg6[%dma_wait3A_661, %dma_wait3A_667, %dma_wait3A_668] : memref<32x8x128xf32, #tpu.memory_space<vmem>> -> memref<1x8x128xf32, #tpu.memory_space<vmem>>
    %dma_wait3A_670 = tpu.memref_squeeze %dma_wait3A_669 : memref<1x8x128xf32, #tpu.memory_space<vmem>> -> memref<8x128xf32, #tpu.memory_space<vmem>>
    %dma_wait3A_671 = tpu.memref_slice %arg2[%add3A_46, %multiple_of3A_44] : memref<1024x100000xf32, #tpu.memory_space<hbm>> -> memref<8x128xf32, #tpu.memory_space<hbm>>
    tpu.wait_dma2 semaphore(%arg8 : memref<!tpu.dma_semaphore, #tpu.memory_space<semaphore_mem>>) src(%dma_wait3A_671 : memref<8x128xf32, #tpu.memory_space<hbm>>) dst(%dma_wait3A_670 : memref<8x128xf32, #tpu.memory_space<vmem>>)
    %dma_wait3A_672 = arith.constant 3 : i32
    %dma_wait3A_673 = arith.constant 0 : i32
    %dma_wait3A_674 = arith.constant 0 : i32
    %dma_wait3A_675 = tpu.memref_slice %arg6[%dma_wait3A_672, %dma_wait3A_673, %dma_wait3A_674] : memref<32x8x128xf32, #tpu.memory_space<vmem>> -> memref<1x8x128xf32, #tpu.memory_space<vmem>>
    %dma_wait3A_676 = tpu.memref_squeeze %dma_wait3A_675 : memref<1x8x128xf32, #tpu.memory_space<vmem>> -> memref<8x128xf32, #tpu.memory_space<vmem>>
    %dma_wait3A_677 = tpu.memref_slice %arg2[%add3A_66, %multiple_of3A_64] : memref<1024x100000xf32, #tpu.memory_space<hbm>> -> memref<8x128xf32, #tpu.memory_space<hbm>>
    %dma_wait3A_678 = arith.constant 0 : i32
    %dma_wait3A_679 = arith.constant 0 : i32
    %dma_wait3A_680 = tpu.memref_slice %arg6[%dma_wait3A_672, %dma_wait3A_678, %dma_wait3A_679] : memref<32x8x128xf32, #tpu.memory_space<vmem>> -> memref<1x8x128xf32, #tpu.memory_space<vmem>>
    %dma_wait3A_681 = tpu.memref_squeeze %dma_wait3A_680 : memref<1x8x128xf32, #tpu.memory_space<vmem>> -> memref<8x128xf32, #tpu.memory_space<vmem>>
    %dma_wait3A_682 = tpu.memref_slice %arg2[%add3A_66, %multiple_of3A_64] : memref<1024x100000xf32, #tpu.memory_space<hbm>> -> memref<8x128xf32, #tpu.memory_space<hbm>>
    tpu.wait_dma2 semaphore(%arg8 : memref<!tpu.dma_semaphore, #tpu.memory_space<semaphore_mem>>) src(%dma_wait3A_682 : memref<8x128xf32, #tpu.memory_space<hbm>>) dst(%dma_wait3A_681 : memref<8x128xf32, #tpu.memory_space<vmem>>)
    %dma_wait3A_683 = arith.constant 4 : i32
    %dma_wait3A_684 = arith.constant 0 : i32
    %dma_wait3A_685 = arith.constant 0 : i32
    %dma_wait3A_686 = tpu.memref_slice %arg6[%dma_wait3A_683, %dma_wait3A_684, %dma_wait3A_685] : memref<32x8x128xf32, #tpu.memory_space<vmem>> -> memref<1x8x128xf32, #tpu.memory_space<vmem>>
    %dma_wait3A_687 = tpu.memref_squeeze %dma_wait3A_686 : memref<1x8x128xf32, #tpu.memory_space<vmem>> -> memref<8x128xf32, #tpu.memory_space<vmem>>
    %dma_wait3A_688 = tpu.memref_slice %arg2[%add3A_86, %multiple_of3A_84] : memref<1024x100000xf32, #tpu.memory_space<hbm>> -> memref<8x128xf32, #tpu.memory_space<hbm>>
    %dma_wait3A_689 = arith.constant 0 : i32
    %dma_wait3A_690 = arith.constant 0 : i32
    %dma_wait3A_691 = tpu.memref_slice %arg6[%dma_wait3A_683, %dma_wait3A_689, %dma_wait3A_690] : memref<32x8x128xf32, #tpu.memory_space<vmem>> -> memref<1x8x128xf32, #tpu.memory_space<vmem>>
    %dma_wait3A_692 = tpu.memref_squeeze %dma_wait3A_691 : memref<1x8x128xf32, #tpu.memory_space<vmem>> -> memref<8x128xf32, #tpu.memory_space<vmem>>
    %dma_wait3A_693 = tpu.memref_slice %arg2[%add3A_86, %multiple_of3A_84] : memref<1024x100000xf32, #tpu.memory_space<hbm>> -> memref<8x128xf32, #tpu.memory_space<hbm>>
    tpu.wait_dma2 semaphore(%arg8 : memref<!tpu.dma_semaphore, #tpu.memory_space<semaphore_mem>>) src(%dma_wait3A_693 : memref<8x128xf32, #tpu.memory_space<hbm>>) dst(%dma_wait3A_692 : memref<8x128xf32, #tpu.memory_space<vmem>>)
    %dma_wait3A_694 = arith.constant 5 : i32
    %dma_wait3A_695 = arith.constant 0 : i32
    %dma_wait3A_696 = arith.constant 0 : i32
    %dma_wait3A_697 = tpu.memref_slice %arg6[%dma_wait3A_694, %dma_wait3A_695, %dma_wait3A_696] : memref<32x8x128xf32, #tpu.memory_space<vmem>> -> memref<1x8x128xf32, #tpu.memory_space<vmem>>
    %dma_wait3A_698 = tpu.memref_squeeze %dma_wait3A_697 : memref<1x8x128xf32, #tpu.memory_space<vmem>> -> memref<8x128xf32, #tpu.memory_space<vmem>>
    %dma_wait3A_699 = tpu.memref_slice %arg2[%add3A_106, %multiple_of3A_104] : memref<1024x100000xf32, #tpu.memory_space<hbm>> -> memref<8x128xf32, #tpu.memory_space<hbm>>
    %dma_wait3A_700 = arith.constant 0 : i32
    %dma_wait3A_701 = arith.constant 0 : i32
    %dma_wait3A_702 = tpu.memref_slice %arg6[%dma_wait3A_694, %dma_wait3A_700, %dma_wait3A_701] : memref<32x8x128xf32, #tpu.memory_space<vmem>> -> memref<1x8x128xf32, #tpu.memory_space<vmem>>
    %dma_wait3A_703 = tpu.memref_squeeze %dma_wait3A_702 : memref<1x8x128xf32, #tpu.memory_space<vmem>> -> memref<8x128xf32, #tpu.memory_space<vmem>>
    %dma_wait3A_704 = tpu.memref_slice %arg2[%add3A_106, %multiple_of3A_104] : memref<1024x100000xf32, #tpu.memory_space<hbm>> -> memref<8x128xf32, #tpu.memory_space<hbm>>
    tpu.wait_dma2 semaphore(%arg8 : memref<!tpu.dma_semaphore, #tpu.memory_space<semaphore_mem>>) src(%dma_wait3A_704 : memref<8x128xf32, #tpu.memory_space<hbm>>) dst(%dma_wait3A_703 : memref<8x128xf32, #tpu.memory_space<vmem>>)
    %dma_wait3A_705 = arith.constant 6 : i32
    %dma_wait3A_706 = arith.constant 0 : i32
    %dma_wait3A_707 = arith.constant 0 : i32
    %dma_wait3A_708 = tpu.memref_slice %arg6[%dma_wait3A_705, %dma_wait3A_706, %dma_wait3A_707] : memref<32x8x128xf32, #tpu.memory_space<vmem>> -> memref<1x8x128xf32, #tpu.memory_space<vmem>>
    %dma_wait3A_709 = tpu.memref_squeeze %dma_wait3A_708 : memref<1x8x128xf32, #tpu.memory_space<vmem>> -> memref<8x128xf32, #tpu.memory_space<vmem>>
    %dma_wait3A_710 = tpu.memref_slice %arg2[%add3A_126, %multiple_of3A_124] : memref<1024x100000xf32, #tpu.memory_space<hbm>> -> memref<8x128xf32, #tpu.memory_space<hbm>>
    %dma_wait3A_711 = arith.constant 0 : i32
    %dma_wait3A_712 = arith.constant 0 : i32
    %dma_wait3A_713 = tpu.memref_slice %arg6[%dma_wait3A_705, %dma_wait3A_711, %dma_wait3A_712] : memref<32x8x128xf32, #tpu.memory_space<vmem>> -> memref<1x8x128xf32, #tpu.memory_space<vmem>>
    %dma_wait3A_714 = tpu.memref_squeeze %dma_wait3A_713 : memref<1x8x128xf32, #tpu.memory_space<vmem>> -> memref<8x128xf32, #tpu.memory_space<vmem>>
    %dma_wait3A_715 = tpu.memref_slice %arg2[%add3A_126, %multiple_of3A_124] : memref<1024x100000xf32, #tpu.memory_space<hbm>> -> memref<8x128xf32, #tpu.memory_space<hbm>>
    tpu.wait_dma2 semaphore(%arg8 : memref<!tpu.dma_semaphore, #tpu.memory_space<semaphore_mem>>) src(%dma_wait3A_715 : memref<8x128xf32, #tpu.memory_space<hbm>>) dst(%dma_wait3A_714 : memref<8x128xf32, #tpu.memory_space<vmem>>)
    %dma_wait3A_716 = arith.constant 7 : i32
    %dma_wait3A_717 = arith.constant 0 : i32
    %dma_wait3A_718 = arith.constant 0 : i32
    %dma_wait3A_719 = tpu.memref_slice %arg6[%dma_wait3A_716, %dma_wait3A_717, %dma_wait3A_718] : memref<32x8x128xf32, #tpu.memory_space<vmem>> -> memref<1x8x128xf32, #tpu.memory_space<vmem>>
    %dma_wait3A_720 = tpu.memref_squeeze %dma_wait3A_719 : memref<1x8x128xf32, #tpu.memory_space<vmem>> -> memref<8x128xf32, #tpu.memory_space<vmem>>
    %dma_wait3A_721 = tpu.memref_slice %arg2[%add3A_146, %multiple_of3A_144] : memref<1024x100000xf32, #tpu.memory_space<hbm>> -> memref<8x128xf32, #tpu.memory_space<hbm>>
    %dma_wait3A_722 = arith.constant 0 : i32
    %dma_wait3A_723 = arith.constant 0 : i32
    %dma_wait3A_724 = tpu.memref_slice %arg6[%dma_wait3A_716, %dma_wait3A_722, %dma_wait3A_723] : memref<32x8x128xf32, #tpu.memory_space<vmem>> -> memref<1x8x128xf32, #tpu.memory_space<vmem>>
    %dma_wait3A_725 = tpu.memref_squeeze %dma_wait3A_724 : memref<1x8x128xf32, #tpu.memory_space<vmem>> -> memref<8x128xf32, #tpu.memory_space<vmem>>
    %dma_wait3A_726 = tpu.memref_slice %arg2[%add3A_146, %multiple_of3A_144] : memref<1024x100000xf32, #tpu.memory_space<hbm>> -> memref<8x128xf32, #tpu.memory_space<hbm>>
    tpu.wait_dma2 semaphore(%arg8 : memref<!tpu.dma_semaphore, #tpu.memory_space<semaphore_mem>>) src(%dma_wait3A_726 : memref<8x128xf32, #tpu.memory_space<hbm>>) dst(%dma_wait3A_725 : memref<8x128xf32, #tpu.memory_space<vmem>>)
    %dma_wait3A_727 = arith.constant 8 : i32
    %dma_wait3A_728 = arith.constant 0 : i32
    %dma_wait3A_729 = arith.constant 0 : i32
    %dma_wait3A_730 = tpu.memref_slice %arg6[%dma_wait3A_727, %dma_wait3A_728, %dma_wait3A_729] : memref<32x8x128xf32, #tpu.memory_space<vmem>> -> memref<1x8x128xf32, #tpu.memory_space<vmem>>
    %dma_wait3A_731 = tpu.memref_squeeze %dma_wait3A_730 : memref<1x8x128xf32, #tpu.memory_space<vmem>> -> memref<8x128xf32, #tpu.memory_space<vmem>>
    %dma_wait3A_732 = tpu.memref_slice %arg2[%add3A_166, %multiple_of3A_164] : memref<1024x100000xf32, #tpu.memory_space<hbm>> -> memref<8x128xf32, #tpu.memory_space<hbm>>
    %dma_wait3A_733 = arith.constant 0 : i32
    %dma_wait3A_734 = arith.constant 0 : i32
    %dma_wait3A_735 = tpu.memref_slice %arg6[%dma_wait3A_727, %dma_wait3A_733, %dma_wait3A_734] : memref<32x8x128xf32, #tpu.memory_space<vmem>> -> memref<1x8x128xf32, #tpu.memory_space<vmem>>
    %dma_wait3A_736 = tpu.memref_squeeze %dma_wait3A_735 : memref<1x8x128xf32, #tpu.memory_space<vmem>> -> memref<8x128xf32, #tpu.memory_space<vmem>>
    %dma_wait3A_737 = tpu.memref_slice %arg2[%add3A_166, %multiple_of3A_164] : memref<1024x100000xf32, #tpu.memory_space<hbm>> -> memref<8x128xf32, #tpu.memory_space<hbm>>
    tpu.wait_dma2 semaphore(%arg8 : memref<!tpu.dma_semaphore, #tpu.memory_space<semaphore_mem>>) src(%dma_wait3A_737 : memref<8x128xf32, #tpu.memory_space<hbm>>) dst(%dma_wait3A_736 : memref<8x128xf32, #tpu.memory_space<vmem>>)
    %dma_wait3A_738 = arith.constant 9 : i32
    %dma_wait3A_739 = arith.constant 0 : i32
    %dma_wait3A_740 = arith.constant 0 : i32
    %dma_wait3A_741 = tpu.memref_slice %arg6[%dma_wait3A_738, %dma_wait3A_739, %dma_wait3A_740] : memref<32x8x128xf32, #tpu.memory_space<vmem>> -> memref<1x8x128xf32, #tpu.memory_space<vmem>>
    %dma_wait3A_742 = tpu.memref_squeeze %dma_wait3A_741 : memref<1x8x128xf32, #tpu.memory_space<vmem>> -> memref<8x128xf32, #tpu.memory_space<vmem>>
    %dma_wait3A_743 = tpu.memref_slice %arg2[%add3A_186, %multiple_of3A_184] : memref<1024x100000xf32, #tpu.memory_space<hbm>> -> memref<8x128xf32, #tpu.memory_space<hbm>>
    %dma_wait3A_744 = arith.constant 0 : i32
    %dma_wait3A_745 = arith.constant 0 : i32
    %dma_wait3A_746 = tpu.memref_slice %arg6[%dma_wait3A_738, %dma_wait3A_744, %dma_wait3A_745] : memref<32x8x128xf32, #tpu.memory_space<vmem>> -> memref<1x8x128xf32, #tpu.memory_space<vmem>>
    %dma_wait3A_747 = tpu.memref_squeeze %dma_wait3A_746 : memref<1x8x128xf32, #tpu.memory_space<vmem>> -> memref<8x128xf32, #tpu.memory_space<vmem>>
    %dma_wait3A_748 = tpu.memref_slice %arg2[%add3A_186, %multiple_of3A_184] : memref<1024x100000xf32, #tpu.memory_space<hbm>> -> memref<8x128xf32, #tpu.memory_space<hbm>>
    tpu.wait_dma2 semaphore(%arg8 : memref<!tpu.dma_semaphore, #tpu.memory_space<semaphore_mem>>) src(%dma_wait3A_748 : memref<8x128xf32, #tpu.memory_space<hbm>>) dst(%dma_wait3A_747 : memref<8x128xf32, #tpu.memory_space<vmem>>)
    %dma_wait3A_749 = arith.constant 10 : i32
    %dma_wait3A_750 = arith.constant 0 : i32
    %dma_wait3A_751 = arith.constant 0 : i32
    %dma_wait3A_752 = tpu.memref_slice %arg6[%dma_wait3A_749, %dma_wait3A_750, %dma_wait3A_751] : memref<32x8x128xf32, #tpu.memory_space<vmem>> -> memref<1x8x128xf32, #tpu.memory_space<vmem>>
    %dma_wait3A_753 = tpu.memref_squeeze %dma_wait3A_752 : memref<1x8x128xf32, #tpu.memory_space<vmem>> -> memref<8x128xf32, #tpu.memory_space<vmem>>
    %dma_wait3A_754 = tpu.memref_slice %arg2[%add3A_206, %multiple_of3A_204] : memref<1024x100000xf32, #tpu.memory_space<hbm>> -> memref<8x128xf32, #tpu.memory_space<hbm>>
    %dma_wait3A_755 = arith.constant 0 : i32
    %dma_wait3A_756 = arith.constant 0 : i32
    %dma_wait3A_757 = tpu.memref_slice %arg6[%dma_wait3A_749, %dma_wait3A_755, %dma_wait3A_756] : memref<32x8x128xf32, #tpu.memory_space<vmem>> -> memref<1x8x128xf32, #tpu.memory_space<vmem>>
    %dma_wait3A_758 = tpu.memref_squeeze %dma_wait3A_757 : memref<1x8x128xf32, #tpu.memory_space<vmem>> -> memref<8x128xf32, #tpu.memory_space<vmem>>
    %dma_wait3A_759 = tpu.memref_slice %arg2[%add3A_206, %multiple_of3A_204] : memref<1024x100000xf32, #tpu.memory_space<hbm>> -> memref<8x128xf32, #tpu.memory_space<hbm>>
    tpu.wait_dma2 semaphore(%arg8 : memref<!tpu.dma_semaphore, #tpu.memory_space<semaphore_mem>>) src(%dma_wait3A_759 : memref<8x128xf32, #tpu.memory_space<hbm>>) dst(%dma_wait3A_758 : memref<8x128xf32, #tpu.memory_space<vmem>>)
    %dma_wait3A_760 = arith.constant 11 : i32
    %dma_wait3A_761 = arith.constant 0 : i32
    %dma_wait3A_762 = arith.constant 0 : i32
    %dma_wait3A_763 = tpu.memref_slice %arg6[%dma_wait3A_760, %dma_wait3A_761, %dma_wait3A_762] : memref<32x8x128xf32, #tpu.memory_space<vmem>> -> memref<1x8x128xf32, #tpu.memory_space<vmem>>
    %dma_wait3A_764 = tpu.memref_squeeze %dma_wait3A_763 : memref<1x8x128xf32, #tpu.memory_space<vmem>> -> memref<8x128xf32, #tpu.memory_space<vmem>>
    %dma_wait3A_765 = tpu.memref_slice %arg2[%add3A_226, %multiple_of3A_224] : memref<1024x100000xf32, #tpu.memory_space<hbm>> -> memref<8x128xf32, #tpu.memory_space<hbm>>
    %dma_wait3A_766 = arith.constant 0 : i32
    %dma_wait3A_767 = arith.constant 0 : i32
    %dma_wait3A_768 = tpu.memref_slice %arg6[%dma_wait3A_760, %dma_wait3A_766, %dma_wait3A_767] : memref<32x8x128xf32, #tpu.memory_space<vmem>> -> memref<1x8x128xf32, #tpu.memory_space<vmem>>
    %dma_wait3A_769 = tpu.memref_squeeze %dma_wait3A_768 : memref<1x8x128xf32, #tpu.memory_space<vmem>> -> memref<8x128xf32, #tpu.memory_space<vmem>>
    %dma_wait3A_770 = tpu.memref_slice %arg2[%add3A_226, %multiple_of3A_224] : memref<1024x100000xf32, #tpu.memory_space<hbm>> -> memref<8x128xf32, #tpu.memory_space<hbm>>
    tpu.wait_dma2 semaphore(%arg8 : memref<!tpu.dma_semaphore, #tpu.memory_space<semaphore_mem>>) src(%dma_wait3A_770 : memref<8x128xf32, #tpu.memory_space<hbm>>) dst(%dma_wait3A_769 : memref<8x128xf32, #tpu.memory_space<vmem>>)
    %dma_wait3A_771 = arith.constant 12 : i32
    %dma_wait3A_772 = arith.constant 0 : i32
    %dma_wait3A_773 = arith.constant 0 : i32
    %dma_wait3A_774 = tpu.memref_slice %arg6[%dma_wait3A_771, %dma_wait3A_772, %dma_wait3A_773] : memref<32x8x128xf32, #tpu.memory_space<vmem>> -> memref<1x8x128xf32, #tpu.memory_space<vmem>>
    %dma_wait3A_775 = tpu.memref_squeeze %dma_wait3A_774 : memref<1x8x128xf32, #tpu.memory_space<vmem>> -> memref<8x128xf32, #tpu.memory_space<vmem>>
    %dma_wait3A_776 = tpu.memref_slice %arg2[%add3A_246, %multiple_of3A_244] : memref<1024x100000xf32, #tpu.memory_space<hbm>> -> memref<8x128xf32, #tpu.memory_space<hbm>>
    %dma_wait3A_777 = arith.constant 0 : i32
    %dma_wait3A_778 = arith.constant 0 : i32
    %dma_wait3A_779 = tpu.memref_slice %arg6[%dma_wait3A_771, %dma_wait3A_777, %dma_wait3A_778] : memref<32x8x128xf32, #tpu.memory_space<vmem>> -> memref<1x8x128xf32, #tpu.memory_space<vmem>>
    %dma_wait3A_780 = tpu.memref_squeeze %dma_wait3A_779 : memref<1x8x128xf32, #tpu.memory_space<vmem>> -> memref<8x128xf32, #tpu.memory_space<vmem>>
    %dma_wait3A_781 = tpu.memref_slice %arg2[%add3A_246, %multiple_of3A_244] : memref<1024x100000xf32, #tpu.memory_space<hbm>> -> memref<8x128xf32, #tpu.memory_space<hbm>>
    tpu.wait_dma2 semaphore(%arg8 : memref<!tpu.dma_semaphore, #tpu.memory_space<semaphore_mem>>) src(%dma_wait3A_781 : memref<8x128xf32, #tpu.memory_space<hbm>>) dst(%dma_wait3A_780 : memref<8x128xf32, #tpu.memory_space<vmem>>)
    %dma_wait3A_782 = arith.constant 13 : i32
    %dma_wait3A_783 = arith.constant 0 : i32
    %dma_wait3A_784 = arith.constant 0 : i32
    %dma_wait3A_785 = tpu.memref_slice %arg6[%dma_wait3A_782, %dma_wait3A_783, %dma_wait3A_784] : memref<32x8x128xf32, #tpu.memory_space<vmem>> -> memref<1x8x128xf32, #tpu.memory_space<vmem>>
    %dma_wait3A_786 = tpu.memref_squeeze %dma_wait3A_785 : memref<1x8x128xf32, #tpu.memory_space<vmem>> -> memref<8x128xf32, #tpu.memory_space<vmem>>
    %dma_wait3A_787 = tpu.memref_slice %arg2[%add3A_266, %multiple_of3A_264] : memref<1024x100000xf32, #tpu.memory_space<hbm>> -> memref<8x128xf32, #tpu.memory_space<hbm>>
    %dma_wait3A_788 = arith.constant 0 : i32
    %dma_wait3A_789 = arith.constant 0 : i32
    %dma_wait3A_790 = tpu.memref_slice %arg6[%dma_wait3A_782, %dma_wait3A_788, %dma_wait3A_789] : memref<32x8x128xf32, #tpu.memory_space<vmem>> -> memref<1x8x128xf32, #tpu.memory_space<vmem>>
    %dma_wait3A_791 = tpu.memref_squeeze %dma_wait3A_790 : memref<1x8x128xf32, #tpu.memory_space<vmem>> -> memref<8x128xf32, #tpu.memory_space<vmem>>
    %dma_wait3A_792 = tpu.memref_slice %arg2[%add3A_266, %multiple_of3A_264] : memref<1024x100000xf32, #tpu.memory_space<hbm>> -> memref<8x128xf32, #tpu.memory_space<hbm>>
    tpu.wait_dma2 semaphore(%arg8 : memref<!tpu.dma_semaphore, #tpu.memory_space<semaphore_mem>>) src(%dma_wait3A_792 : memref<8x128xf32, #tpu.memory_space<hbm>>) dst(%dma_wait3A_791 : memref<8x128xf32, #tpu.memory_space<vmem>>)
    %dma_wait3A_793 = arith.constant 14 : i32
    %dma_wait3A_794 = arith.constant 0 : i32
    %dma_wait3A_795 = arith.constant 0 : i32
    %dma_wait3A_796 = tpu.memref_slice %arg6[%dma_wait3A_793, %dma_wait3A_794, %dma_wait3A_795] : memref<32x8x128xf32, #tpu.memory_space<vmem>> -> memref<1x8x128xf32, #tpu.memory_space<vmem>>
    %dma_wait3A_797 = tpu.memref_squeeze %dma_wait3A_796 : memref<1x8x128xf32, #tpu.memory_space<vmem>> -> memref<8x128xf32, #tpu.memory_space<vmem>>
    %dma_wait3A_798 = tpu.memref_slice %arg2[%add3A_286, %multiple_of3A_284] : memref<1024x100000xf32, #tpu.memory_space<hbm>> -> memref<8x128xf32, #tpu.memory_space<hbm>>
    %dma_wait3A_799 = arith.constant 0 : i32
    %dma_wait3A_800 = arith.constant 0 : i32
    %dma_wait3A_801 = tpu.memref_slice %arg6[%dma_wait3A_793, %dma_wait3A_799, %dma_wait3A_800] : memref<32x8x128xf32, #tpu.memory_space<vmem>> -> memref<1x8x128xf32, #tpu.memory_space<vmem>>
    %dma_wait3A_802 = tpu.memref_squeeze %dma_wait3A_801 : memref<1x8x128xf32, #tpu.memory_space<vmem>> -> memref<8x128xf32, #tpu.memory_space<vmem>>
    %dma_wait3A_803 = tpu.memref_slice %arg2[%add3A_286, %multiple_of3A_284] : memref<1024x100000xf32, #tpu.memory_space<hbm>> -> memref<8x128xf32, #tpu.memory_space<hbm>>
    tpu.wait_dma2 semaphore(%arg8 : memref<!tpu.dma_semaphore, #tpu.memory_space<semaphore_mem>>) src(%dma_wait3A_803 : memref<8x128xf32, #tpu.memory_space<hbm>>) dst(%dma_wait3A_802 : memref<8x128xf32, #tpu.memory_space<vmem>>)
    %dma_wait3A_804 = arith.constant 15 : i32
    %dma_wait3A_805 = arith.constant 0 : i32
    %dma_wait3A_806 = arith.constant 0 : i32
    %dma_wait3A_807 = tpu.memref_slice %arg6[%dma_wait3A_804, %dma_wait3A_805, %dma_wait3A_806] : memref<32x8x128xf32, #tpu.memory_space<vmem>> -> memref<1x8x128xf32, #tpu.memory_space<vmem>>
    %dma_wait3A_808 = tpu.memref_squeeze %dma_wait3A_807 : memref<1x8x128xf32, #tpu.memory_space<vmem>> -> memref<8x128xf32, #tpu.memory_space<vmem>>
    %dma_wait3A_809 = tpu.memref_slice %arg2[%add3A_306, %multiple_of3A_304] : memref<1024x100000xf32, #tpu.memory_space<hbm>> -> memref<8x128xf32, #tpu.memory_space<hbm>>
    %dma_wait3A_810 = arith.constant 0 : i32
    %dma_wait3A_811 = arith.constant 0 : i32
    %dma_wait3A_812 = tpu.memref_slice %arg6[%dma_wait3A_804, %dma_wait3A_810, %dma_wait3A_811] : memref<32x8x128xf32, #tpu.memory_space<vmem>> -> memref<1x8x128xf32, #tpu.memory_space<vmem>>
    %dma_wait3A_813 = tpu.memref_squeeze %dma_wait3A_812 : memref<1x8x128xf32, #tpu.memory_space<vmem>> -> memref<8x128xf32, #tpu.memory_space<vmem>>
    %dma_wait3A_814 = tpu.memref_slice %arg2[%add3A_306, %multiple_of3A_304] : memref<1024x100000xf32, #tpu.memory_space<hbm>> -> memref<8x128xf32, #tpu.memory_space<hbm>>
    tpu.wait_dma2 semaphore(%arg8 : memref<!tpu.dma_semaphore, #tpu.memory_space<semaphore_mem>>) src(%dma_wait3A_814 : memref<8x128xf32, #tpu.memory_space<hbm>>) dst(%dma_wait3A_813 : memref<8x128xf32, #tpu.memory_space<vmem>>)
    %dma_wait3A_815 = arith.constant 16 : i32
    %dma_wait3A_816 = arith.constant 0 : i32
    %dma_wait3A_817 = arith.constant 0 : i32
    %dma_wait3A_818 = tpu.memref_slice %arg6[%dma_wait3A_815, %dma_wait3A_816, %dma_wait3A_817] : memref<32x8x128xf32, #tpu.memory_space<vmem>> -> memref<1x8x128xf32, #tpu.memory_space<vmem>>
    %dma_wait3A_819 = tpu.memref_squeeze %dma_wait3A_818 : memref<1x8x128xf32, #tpu.memory_space<vmem>> -> memref<8x128xf32, #tpu.memory_space<vmem>>
    %dma_wait3A_820 = tpu.memref_slice %arg2[%add3A_328, %multiple_of3A_326] : memref<1024x100000xf32, #tpu.memory_space<hbm>> -> memref<8x128xf32, #tpu.memory_space<hbm>>
    %dma_wait3A_821 = arith.constant 0 : i32
    %dma_wait3A_822 = arith.constant 0 : i32
    %dma_wait3A_823 = tpu.memref_slice %arg6[%dma_wait3A_815, %dma_wait3A_821, %dma_wait3A_822] : memref<32x8x128xf32, #tpu.memory_space<vmem>> -> memref<1x8x128xf32, #tpu.memory_space<vmem>>
    %dma_wait3A_824 = tpu.memref_squeeze %dma_wait3A_823 : memref<1x8x128xf32, #tpu.memory_space<vmem>> -> memref<8x128xf32, #tpu.memory_space<vmem>>
    %dma_wait3A_825 = tpu.memref_slice %arg2[%add3A_328, %multiple_of3A_326] : memref<1024x100000xf32, #tpu.memory_space<hbm>> -> memref<8x128xf32, #tpu.memory_space<hbm>>
    tpu.wait_dma2 semaphore(%arg8 : memref<!tpu.dma_semaphore, #tpu.memory_space<semaphore_mem>>) src(%dma_wait3A_825 : memref<8x128xf32, #tpu.memory_space<hbm>>) dst(%dma_wait3A_824 : memref<8x128xf32, #tpu.memory_space<vmem>>)
    %dma_wait3A_826 = arith.constant 17 : i32
    %dma_wait3A_827 = arith.constant 0 : i32
    %dma_wait3A_828 = arith.constant 0 : i32
    %dma_wait3A_829 = tpu.memref_slice %arg6[%dma_wait3A_826, %dma_wait3A_827, %dma_wait3A_828] : memref<32x8x128xf32, #tpu.memory_space<vmem>> -> memref<1x8x128xf32, #tpu.memory_space<vmem>>
    %dma_wait3A_830 = tpu.memref_squeeze %dma_wait3A_829 : memref<1x8x128xf32, #tpu.memory_space<vmem>> -> memref<8x128xf32, #tpu.memory_space<vmem>>
    %dma_wait3A_831 = tpu.memref_slice %arg2[%add3A_348, %multiple_of3A_346] : memref<1024x100000xf32, #tpu.memory_space<hbm>> -> memref<8x128xf32, #tpu.memory_space<hbm>>
    %dma_wait3A_832 = arith.constant 0 : i32
    %dma_wait3A_833 = arith.constant 0 : i32
    %dma_wait3A_834 = tpu.memref_slice %arg6[%dma_wait3A_826, %dma_wait3A_832, %dma_wait3A_833] : memref<32x8x128xf32, #tpu.memory_space<vmem>> -> memref<1x8x128xf32, #tpu.memory_space<vmem>>
    %dma_wait3A_835 = tpu.memref_squeeze %dma_wait3A_834 : memref<1x8x128xf32, #tpu.memory_space<vmem>> -> memref<8x128xf32, #tpu.memory_space<vmem>>
    %dma_wait3A_836 = tpu.memref_slice %arg2[%add3A_348, %multiple_of3A_346] : memref<1024x100000xf32, #tpu.memory_space<hbm>> -> memref<8x128xf32, #tpu.memory_space<hbm>>
    tpu.wait_dma2 semaphore(%arg8 : memref<!tpu.dma_semaphore, #tpu.memory_space<semaphore_mem>>) src(%dma_wait3A_836 : memref<8x128xf32, #tpu.memory_space<hbm>>) dst(%dma_wait3A_835 : memref<8x128xf32, #tpu.memory_space<vmem>>)
    %dma_wait3A_837 = arith.constant 18 : i32
    %dma_wait3A_838 = arith.constant 0 : i32
    %dma_wait3A_839 = arith.constant 0 : i32
    %dma_wait3A_840 = tpu.memref_slice %arg6[%dma_wait3A_837, %dma_wait3A_838, %dma_wait3A_839] : memref<32x8x128xf32, #tpu.memory_space<vmem>> -> memref<1x8x128xf32, #tpu.memory_space<vmem>>
    %dma_wait3A_841 = tpu.memref_squeeze %dma_wait3A_840 : memref<1x8x128xf32, #tpu.memory_space<vmem>> -> memref<8x128xf32, #tpu.memory_space<vmem>>
    %dma_wait3A_842 = tpu.memref_slice %arg2[%add3A_368, %multiple_of3A_366] : memref<1024x100000xf32, #tpu.memory_space<hbm>> -> memref<8x128xf32, #tpu.memory_space<hbm>>
    %dma_wait3A_843 = arith.constant 0 : i32
    %dma_wait3A_844 = arith.constant 0 : i32
    %dma_wait3A_845 = tpu.memref_slice %arg6[%dma_wait3A_837, %dma_wait3A_843, %dma_wait3A_844] : memref<32x8x128xf32, #tpu.memory_space<vmem>> -> memref<1x8x128xf32, #tpu.memory_space<vmem>>
    %dma_wait3A_846 = tpu.memref_squeeze %dma_wait3A_845 : memref<1x8x128xf32, #tpu.memory_space<vmem>> -> memref<8x128xf32, #tpu.memory_space<vmem>>
    %dma_wait3A_847 = tpu.memref_slice %arg2[%add3A_368, %multiple_of3A_366] : memref<1024x100000xf32, #tpu.memory_space<hbm>> -> memref<8x128xf32, #tpu.memory_space<hbm>>
    tpu.wait_dma2 semaphore(%arg8 : memref<!tpu.dma_semaphore, #tpu.memory_space<semaphore_mem>>) src(%dma_wait3A_847 : memref<8x128xf32, #tpu.memory_space<hbm>>) dst(%dma_wait3A_846 : memref<8x128xf32, #tpu.memory_space<vmem>>)
    %dma_wait3A_848 = arith.constant 19 : i32
    %dma_wait3A_849 = arith.constant 0 : i32
    %dma_wait3A_850 = arith.constant 0 : i32
    %dma_wait3A_851 = tpu.memref_slice %arg6[%dma_wait3A_848, %dma_wait3A_849, %dma_wait3A_850] : memref<32x8x128xf32, #tpu.memory_space<vmem>> -> memref<1x8x128xf32, #tpu.memory_space<vmem>>
    %dma_wait3A_852 = tpu.memref_squeeze %dma_wait3A_851 : memref<1x8x128xf32, #tpu.memory_space<vmem>> -> memref<8x128xf32, #tpu.memory_space<vmem>>
    %dma_wait3A_853 = tpu.memref_slice %arg2[%add3A_388, %multiple_of3A_386] : memref<1024x100000xf32, #tpu.memory_space<hbm>> -> memref<8x128xf32, #tpu.memory_space<hbm>>
    %dma_wait3A_854 = arith.constant 0 : i32
    %dma_wait3A_855 = arith.constant 0 : i32
    %dma_wait3A_856 = tpu.memref_slice %arg6[%dma_wait3A_848, %dma_wait3A_854, %dma_wait3A_855] : memref<32x8x128xf32, #tpu.memory_space<vmem>> -> memref<1x8x128xf32, #tpu.memory_space<vmem>>
    %dma_wait3A_857 = tpu.memref_squeeze %dma_wait3A_856 : memref<1x8x128xf32, #tpu.memory_space<vmem>> -> memref<8x128xf32, #tpu.memory_space<vmem>>
    %dma_wait3A_858 = tpu.memref_slice %arg2[%add3A_388, %multiple_of3A_386] : memref<1024x100000xf32, #tpu.memory_space<hbm>> -> memref<8x128xf32, #tpu.memory_space<hbm>>
    tpu.wait_dma2 semaphore(%arg8 : memref<!tpu.dma_semaphore, #tpu.memory_space<semaphore_mem>>) src(%dma_wait3A_858 : memref<8x128xf32, #tpu.memory_space<hbm>>) dst(%dma_wait3A_857 : memref<8x128xf32, #tpu.memory_space<vmem>>)
    %dma_wait3A_859 = arith.constant 20 : i32
    %dma_wait3A_860 = arith.constant 0 : i32
    %dma_wait3A_861 = arith.constant 0 : i32
    %dma_wait3A_862 = tpu.memref_slice %arg6[%dma_wait3A_859, %dma_wait3A_860, %dma_wait3A_861] : memref<32x8x128xf32, #tpu.memory_space<vmem>> -> memref<1x8x128xf32, #tpu.memory_space<vmem>>
    %dma_wait3A_863 = tpu.memref_squeeze %dma_wait3A_862 : memref<1x8x128xf32, #tpu.memory_space<vmem>> -> memref<8x128xf32, #tpu.memory_space<vmem>>
    %dma_wait3A_864 = tpu.memref_slice %arg2[%add3A_408, %multiple_of3A_406] : memref<1024x100000xf32, #tpu.memory_space<hbm>> -> memref<8x128xf32, #tpu.memory_space<hbm>>
    %dma_wait3A_865 = arith.constant 0 : i32
    %dma_wait3A_866 = arith.constant 0 : i32
    %dma_wait3A_867 = tpu.memref_slice %arg6[%dma_wait3A_859, %dma_wait3A_865, %dma_wait3A_866] : memref<32x8x128xf32, #tpu.memory_space<vmem>> -> memref<1x8x128xf32, #tpu.memory_space<vmem>>
    %dma_wait3A_868 = tpu.memref_squeeze %dma_wait3A_867 : memref<1x8x128xf32, #tpu.memory_space<vmem>> -> memref<8x128xf32, #tpu.memory_space<vmem>>
    %dma_wait3A_869 = tpu.memref_slice %arg2[%add3A_408, %multiple_of3A_406] : memref<1024x100000xf32, #tpu.memory_space<hbm>> -> memref<8x128xf32, #tpu.memory_space<hbm>>
    tpu.wait_dma2 semaphore(%arg8 : memref<!tpu.dma_semaphore, #tpu.memory_space<semaphore_mem>>) src(%dma_wait3A_869 : memref<8x128xf32, #tpu.memory_space<hbm>>) dst(%dma_wait3A_868 : memref<8x128xf32, #tpu.memory_space<vmem>>)
    %dma_wait3A_870 = arith.constant 21 : i32
    %dma_wait3A_871 = arith.constant 0 : i32
    %dma_wait3A_872 = arith.constant 0 : i32
    %dma_wait3A_873 = tpu.memref_slice %arg6[%dma_wait3A_870, %dma_wait3A_871, %dma_wait3A_872] : memref<32x8x128xf32, #tpu.memory_space<vmem>> -> memref<1x8x128xf32, #tpu.memory_space<vmem>>
    %dma_wait3A_874 = tpu.memref_squeeze %dma_wait3A_873 : memref<1x8x128xf32, #tpu.memory_space<vmem>> -> memref<8x128xf32, #tpu.memory_space<vmem>>
    %dma_wait3A_875 = tpu.memref_slice %arg2[%add3A_428, %multiple_of3A_426] : memref<1024x100000xf32, #tpu.memory_space<hbm>> -> memref<8x128xf32, #tpu.memory_space<hbm>>
    %dma_wait3A_876 = arith.constant 0 : i32
    %dma_wait3A_877 = arith.constant 0 : i32
    %dma_wait3A_878 = tpu.memref_slice %arg6[%dma_wait3A_870, %dma_wait3A_876, %dma_wait3A_877] : memref<32x8x128xf32, #tpu.memory_space<vmem>> -> memref<1x8x128xf32, #tpu.memory_space<vmem>>
    %dma_wait3A_879 = tpu.memref_squeeze %dma_wait3A_878 : memref<1x8x128xf32, #tpu.memory_space<vmem>> -> memref<8x128xf32, #tpu.memory_space<vmem>>
    %dma_wait3A_880 = tpu.memref_slice %arg2[%add3A_428, %multiple_of3A_426] : memref<1024x100000xf32, #tpu.memory_space<hbm>> -> memref<8x128xf32, #tpu.memory_space<hbm>>
    tpu.wait_dma2 semaphore(%arg8 : memref<!tpu.dma_semaphore, #tpu.memory_space<semaphore_mem>>) src(%dma_wait3A_880 : memref<8x128xf32, #tpu.memory_space<hbm>>) dst(%dma_wait3A_879 : memref<8x128xf32, #tpu.memory_space<vmem>>)
    %dma_wait3A_881 = arith.constant 22 : i32
    %dma_wait3A_882 = arith.constant 0 : i32
    %dma_wait3A_883 = arith.constant 0 : i32
    %dma_wait3A_884 = tpu.memref_slice %arg6[%dma_wait3A_881, %dma_wait3A_882, %dma_wait3A_883] : memref<32x8x128xf32, #tpu.memory_space<vmem>> -> memref<1x8x128xf32, #tpu.memory_space<vmem>>
    %dma_wait3A_885 = tpu.memref_squeeze %dma_wait3A_884 : memref<1x8x128xf32, #tpu.memory_space<vmem>> -> memref<8x128xf32, #tpu.memory_space<vmem>>
    %dma_wait3A_886 = tpu.memref_slice %arg2[%add3A_448, %multiple_of3A_446] : memref<1024x100000xf32, #tpu.memory_space<hbm>> -> memref<8x128xf32, #tpu.memory_space<hbm>>
    %dma_wait3A_887 = arith.constant 0 : i32
    %dma_wait3A_888 = arith.constant 0 : i32
    %dma_wait3A_889 = tpu.memref_slice %arg6[%dma_wait3A_881, %dma_wait3A_887, %dma_wait3A_888] : memref<32x8x128xf32, #tpu.memory_space<vmem>> -> memref<1x8x128xf32, #tpu.memory_space<vmem>>
    %dma_wait3A_890 = tpu.memref_squeeze %dma_wait3A_889 : memref<1x8x128xf32, #tpu.memory_space<vmem>> -> memref<8x128xf32, #tpu.memory_space<vmem>>
    %dma_wait3A_891 = tpu.memref_slice %arg2[%add3A_448, %multiple_of3A_446] : memref<1024x100000xf32, #tpu.memory_space<hbm>> -> memref<8x128xf32, #tpu.memory_space<hbm>>
    tpu.wait_dma2 semaphore(%arg8 : memref<!tpu.dma_semaphore, #tpu.memory_space<semaphore_mem>>) src(%dma_wait3A_891 : memref<8x128xf32, #tpu.memory_space<hbm>>) dst(%dma_wait3A_890 : memref<8x128xf32, #tpu.memory_space<vmem>>)
    %dma_wait3A_892 = arith.constant 23 : i32
    %dma_wait3A_893 = arith.constant 0 : i32
    %dma_wait3A_894 = arith.constant 0 : i32
    %dma_wait3A_895 = tpu.memref_slice %arg6[%dma_wait3A_892, %dma_wait3A_893, %dma_wait3A_894] : memref<32x8x128xf32, #tpu.memory_space<vmem>> -> memref<1x8x128xf32, #tpu.memory_space<vmem>>
    %dma_wait3A_896 = tpu.memref_squeeze %dma_wait3A_895 : memref<1x8x128xf32, #tpu.memory_space<vmem>> -> memref<8x128xf32, #tpu.memory_space<vmem>>
    %dma_wait3A_897 = tpu.memref_slice %arg2[%add3A_468, %multiple_of3A_466] : memref<1024x100000xf32, #tpu.memory_space<hbm>> -> memref<8x128xf32, #tpu.memory_space<hbm>>
    %dma_wait3A_898 = arith.constant 0 : i32
    %dma_wait3A_899 = arith.constant 0 : i32
    %dma_wait3A_900 = tpu.memref_slice %arg6[%dma_wait3A_892, %dma_wait3A_898, %dma_wait3A_899] : memref<32x8x128xf32, #tpu.memory_space<vmem>> -> memref<1x8x128xf32, #tpu.memory_space<vmem>>
    %dma_wait3A_901 = tpu.memref_squeeze %dma_wait3A_900 : memref<1x8x128xf32, #tpu.memory_space<vmem>> -> memref<8x128xf32, #tpu.memory_space<vmem>>
    %dma_wait3A_902 = tpu.memref_slice %arg2[%add3A_468, %multiple_of3A_466] : memref<1024x100000xf32, #tpu.memory_space<hbm>> -> memref<8x128xf32, #tpu.memory_space<hbm>>
    tpu.wait_dma2 semaphore(%arg8 : memref<!tpu.dma_semaphore, #tpu.memory_space<semaphore_mem>>) src(%dma_wait3A_902 : memref<8x128xf32, #tpu.memory_space<hbm>>) dst(%dma_wait3A_901 : memref<8x128xf32, #tpu.memory_space<vmem>>)
    %dma_wait3A_903 = arith.constant 24 : i32
    %dma_wait3A_904 = arith.constant 0 : i32
    %dma_wait3A_905 = arith.constant 0 : i32
    %dma_wait3A_906 = tpu.memref_slice %arg6[%dma_wait3A_903, %dma_wait3A_904, %dma_wait3A_905] : memref<32x8x128xf32, #tpu.memory_space<vmem>> -> memref<1x8x128xf32, #tpu.memory_space<vmem>>
    %dma_wait3A_907 = tpu.memref_squeeze %dma_wait3A_906 : memref<1x8x128xf32, #tpu.memory_space<vmem>> -> memref<8x128xf32, #tpu.memory_space<vmem>>
    %dma_wait3A_908 = tpu.memref_slice %arg2[%add3A_488, %multiple_of3A_486] : memref<1024x100000xf32, #tpu.memory_space<hbm>> -> memref<8x128xf32, #tpu.memory_space<hbm>>
    %dma_wait3A_909 = arith.constant 0 : i32
    %dma_wait3A_910 = arith.constant 0 : i32
    %dma_wait3A_911 = tpu.memref_slice %arg6[%dma_wait3A_903, %dma_wait3A_909, %dma_wait3A_910] : memref<32x8x128xf32, #tpu.memory_space<vmem>> -> memref<1x8x128xf32, #tpu.memory_space<vmem>>
    %dma_wait3A_912 = tpu.memref_squeeze %dma_wait3A_911 : memref<1x8x128xf32, #tpu.memory_space<vmem>> -> memref<8x128xf32, #tpu.memory_space<vmem>>
    %dma_wait3A_913 = tpu.memref_slice %arg2[%add3A_488, %multiple_of3A_486] : memref<1024x100000xf32, #tpu.memory_space<hbm>> -> memref<8x128xf32, #tpu.memory_space<hbm>>
    tpu.wait_dma2 semaphore(%arg8 : memref<!tpu.dma_semaphore, #tpu.memory_space<semaphore_mem>>) src(%dma_wait3A_913 : memref<8x128xf32, #tpu.memory_space<hbm>>) dst(%dma_wait3A_912 : memref<8x128xf32, #tpu.memory_space<vmem>>)
    %dma_wait3A_914 = arith.constant 25 : i32
    %dma_wait3A_915 = arith.constant 0 : i32
    %dma_wait3A_916 = arith.constant 0 : i32
    %dma_wait3A_917 = tpu.memref_slice %arg6[%dma_wait3A_914, %dma_wait3A_915, %dma_wait3A_916] : memref<32x8x128xf32, #tpu.memory_space<vmem>> -> memref<1x8x128xf32, #tpu.memory_space<vmem>>
    %dma_wait3A_918 = tpu.memref_squeeze %dma_wait3A_917 : memref<1x8x128xf32, #tpu.memory_space<vmem>> -> memref<8x128xf32, #tpu.memory_space<vmem>>
    %dma_wait3A_919 = tpu.memref_slice %arg2[%add3A_508, %multiple_of3A_506] : memref<1024x100000xf32, #tpu.memory_space<hbm>> -> memref<8x128xf32, #tpu.memory_space<hbm>>
    %dma_wait3A_920 = arith.constant 0 : i32
    %dma_wait3A_921 = arith.constant 0 : i32
    %dma_wait3A_922 = tpu.memref_slice %arg6[%dma_wait3A_914, %dma_wait3A_920, %dma_wait3A_921] : memref<32x8x128xf32, #tpu.memory_space<vmem>> -> memref<1x8x128xf32, #tpu.memory_space<vmem>>
    %dma_wait3A_923 = tpu.memref_squeeze %dma_wait3A_922 : memref<1x8x128xf32, #tpu.memory_space<vmem>> -> memref<8x128xf32, #tpu.memory_space<vmem>>
    %dma_wait3A_924 = tpu.memref_slice %arg2[%add3A_508, %multiple_of3A_506] : memref<1024x100000xf32, #tpu.memory_space<hbm>> -> memref<8x128xf32, #tpu.memory_space<hbm>>
    tpu.wait_dma2 semaphore(%arg8 : memref<!tpu.dma_semaphore, #tpu.memory_space<semaphore_mem>>) src(%dma_wait3A_924 : memref<8x128xf32, #tpu.memory_space<hbm>>) dst(%dma_wait3A_923 : memref<8x128xf32, #tpu.memory_space<vmem>>)
    %dma_wait3A_925 = arith.constant 26 : i32
    %dma_wait3A_926 = arith.constant 0 : i32
    %dma_wait3A_927 = arith.constant 0 : i32
    %dma_wait3A_928 = tpu.memref_slice %arg6[%dma_wait3A_925, %dma_wait3A_926, %dma_wait3A_927] : memref<32x8x128xf32, #tpu.memory_space<vmem>> -> memref<1x8x128xf32, #tpu.memory_space<vmem>>
    %dma_wait3A_929 = tpu.memref_squeeze %dma_wait3A_928 : memref<1x8x128xf32, #tpu.memory_space<vmem>> -> memref<8x128xf32, #tpu.memory_space<vmem>>
    %dma_wait3A_930 = tpu.memref_slice %arg2[%add3A_528, %multiple_of3A_526] : memref<1024x100000xf32, #tpu.memory_space<hbm>> -> memref<8x128xf32, #tpu.memory_space<hbm>>
    %dma_wait3A_931 = arith.constant 0 : i32
    %dma_wait3A_932 = arith.constant 0 : i32
    %dma_wait3A_933 = tpu.memref_slice %arg6[%dma_wait3A_925, %dma_wait3A_931, %dma_wait3A_932] : memref<32x8x128xf32, #tpu.memory_space<vmem>> -> memref<1x8x128xf32, #tpu.memory_space<vmem>>
    %dma_wait3A_934 = tpu.memref_squeeze %dma_wait3A_933 : memref<1x8x128xf32, #tpu.memory_space<vmem>> -> memref<8x128xf32, #tpu.memory_space<vmem>>
    %dma_wait3A_935 = tpu.memref_slice %arg2[%add3A_528, %multiple_of3A_526] : memref<1024x100000xf32, #tpu.memory_space<hbm>> -> memref<8x128xf32, #tpu.memory_space<hbm>>
    tpu.wait_dma2 semaphore(%arg8 : memref<!tpu.dma_semaphore, #tpu.memory_space<semaphore_mem>>) src(%dma_wait3A_935 : memref<8x128xf32, #tpu.memory_space<hbm>>) dst(%dma_wait3A_934 : memref<8x128xf32, #tpu.memory_space<vmem>>)
    %dma_wait3A_936 = arith.constant 27 : i32
    %dma_wait3A_937 = arith.constant 0 : i32
    %dma_wait3A_938 = arith.constant 0 : i32
    %dma_wait3A_939 = tpu.memref_slice %arg6[%dma_wait3A_936, %dma_wait3A_937, %dma_wait3A_938] : memref<32x8x128xf32, #tpu.memory_space<vmem>> -> memref<1x8x128xf32, #tpu.memory_space<vmem>>
    %dma_wait3A_940 = tpu.memref_squeeze %dma_wait3A_939 : memref<1x8x128xf32, #tpu.memory_space<vmem>> -> memref<8x128xf32, #tpu.memory_space<vmem>>
    %dma_wait3A_941 = tpu.memref_slice %arg2[%add3A_548, %multiple_of3A_546] : memref<1024x100000xf32, #tpu.memory_space<hbm>> -> memref<8x128xf32, #tpu.memory_space<hbm>>
    %dma_wait3A_942 = arith.constant 0 : i32
    %dma_wait3A_943 = arith.constant 0 : i32
    %dma_wait3A_944 = tpu.memref_slice %arg6[%dma_wait3A_936, %dma_wait3A_942, %dma_wait3A_943] : memref<32x8x128xf32, #tpu.memory_space<vmem>> -> memref<1x8x128xf32, #tpu.memory_space<vmem>>
    %dma_wait3A_945 = tpu.memref_squeeze %dma_wait3A_944 : memref<1x8x128xf32, #tpu.memory_space<vmem>> -> memref<8x128xf32, #tpu.memory_space<vmem>>
    %dma_wait3A_946 = tpu.memref_slice %arg2[%add3A_548, %multiple_of3A_546] : memref<1024x100000xf32, #tpu.memory_space<hbm>> -> memref<8x128xf32, #tpu.memory_space<hbm>>
    tpu.wait_dma2 semaphore(%arg8 : memref<!tpu.dma_semaphore, #tpu.memory_space<semaphore_mem>>) src(%dma_wait3A_946 : memref<8x128xf32, #tpu.memory_space<hbm>>) dst(%dma_wait3A_945 : memref<8x128xf32, #tpu.memory_space<vmem>>)
    %dma_wait3A_947 = arith.constant 28 : i32
    %dma_wait3A_948 = arith.constant 0 : i32
    %dma_wait3A_949 = arith.constant 0 : i32
    %dma_wait3A_950 = tpu.memref_slice %arg6[%dma_wait3A_947, %dma_wait3A_948, %dma_wait3A_949] : memref<32x8x128xf32, #tpu.memory_space<vmem>> -> memref<1x8x128xf32, #tpu.memory_space<vmem>>
    %dma_wait3A_951 = tpu.memref_squeeze %dma_wait3A_950 : memref<1x8x128xf32, #tpu.memory_space<vmem>> -> memref<8x128xf32, #tpu.memory_space<vmem>>
    %dma_wait3A_952 = tpu.memref_slice %arg2[%add3A_568, %multiple_of3A_566] : memref<1024x100000xf32, #tpu.memory_space<hbm>> -> memref<8x128xf32, #tpu.memory_space<hbm>>
    %dma_wait3A_953 = arith.constant 0 : i32
    %dma_wait3A_954 = arith.constant 0 : i32
    %dma_wait3A_955 = tpu.memref_slice %arg6[%dma_wait3A_947, %dma_wait3A_953, %dma_wait3A_954] : memref<32x8x128xf32, #tpu.memory_space<vmem>> -> memref<1x8x128xf32, #tpu.memory_space<vmem>>
    %dma_wait3A_956 = tpu.memref_squeeze %dma_wait3A_955 : memref<1x8x128xf32, #tpu.memory_space<vmem>> -> memref<8x128xf32, #tpu.memory_space<vmem>>
    %dma_wait3A_957 = tpu.memref_slice %arg2[%add3A_568, %multiple_of3A_566] : memref<1024x100000xf32, #tpu.memory_space<hbm>> -> memref<8x128xf32, #tpu.memory_space<hbm>>
    tpu.wait_dma2 semaphore(%arg8 : memref<!tpu.dma_semaphore, #tpu.memory_space<semaphore_mem>>) src(%dma_wait3A_957 : memref<8x128xf32, #tpu.memory_space<hbm>>) dst(%dma_wait3A_956 : memref<8x128xf32, #tpu.memory_space<vmem>>)
    %dma_wait3A_958 = arith.constant 29 : i32
    %dma_wait3A_959 = arith.constant 0 : i32
    %dma_wait3A_960 = arith.constant 0 : i32
    %dma_wait3A_961 = tpu.memref_slice %arg6[%dma_wait3A_958, %dma_wait3A_959, %dma_wait3A_960] : memref<32x8x128xf32, #tpu.memory_space<vmem>> -> memref<1x8x128xf32, #tpu.memory_space<vmem>>
    %dma_wait3A_962 = tpu.memref_squeeze %dma_wait3A_961 : memref<1x8x128xf32, #tpu.memory_space<vmem>> -> memref<8x128xf32, #tpu.memory_space<vmem>>
    %dma_wait3A_963 = tpu.memref_slice %arg2[%add3A_588, %multiple_of3A_586] : memref<1024x100000xf32, #tpu.memory_space<hbm>> -> memref<8x128xf32, #tpu.memory_space<hbm>>
    %dma_wait3A_964 = arith.constant 0 : i32
    %dma_wait3A_965 = arith.constant 0 : i32
    %dma_wait3A_966 = tpu.memref_slice %arg6[%dma_wait3A_958, %dma_wait3A_964, %dma_wait3A_965] : memref<32x8x128xf32, #tpu.memory_space<vmem>> -> memref<1x8x128xf32, #tpu.memory_space<vmem>>
    %dma_wait3A_967 = tpu.memref_squeeze %dma_wait3A_966 : memref<1x8x128xf32, #tpu.memory_space<vmem>> -> memref<8x128xf32, #tpu.memory_space<vmem>>
    %dma_wait3A_968 = tpu.memref_slice %arg2[%add3A_588, %multiple_of3A_586] : memref<1024x100000xf32, #tpu.memory_space<hbm>> -> memref<8x128xf32, #tpu.memory_space<hbm>>
    tpu.wait_dma2 semaphore(%arg8 : memref<!tpu.dma_semaphore, #tpu.memory_space<semaphore_mem>>) src(%dma_wait3A_968 : memref<8x128xf32, #tpu.memory_space<hbm>>) dst(%dma_wait3A_967 : memref<8x128xf32, #tpu.memory_space<vmem>>)
    %dma_wait3A_969 = arith.constant 30 : i32
    %dma_wait3A_970 = arith.constant 0 : i32
    %dma_wait3A_971 = arith.constant 0 : i32
    %dma_wait3A_972 = tpu.memref_slice %arg6[%dma_wait3A_969, %dma_wait3A_970, %dma_wait3A_971] : memref<32x8x128xf32, #tpu.memory_space<vmem>> -> memref<1x8x128xf32, #tpu.memory_space<vmem>>
    %dma_wait3A_973 = tpu.memref_squeeze %dma_wait3A_972 : memref<1x8x128xf32, #tpu.memory_space<vmem>> -> memref<8x128xf32, #tpu.memory_space<vmem>>
    %dma_wait3A_974 = tpu.memref_slice %arg2[%add3A_608, %multiple_of3A_606] : memref<1024x100000xf32, #tpu.memory_space<hbm>> -> memref<8x128xf32, #tpu.memory_space<hbm>>
    %dma_wait3A_975 = arith.constant 0 : i32
    %dma_wait3A_976 = arith.constant 0 : i32
    %dma_wait3A_977 = tpu.memref_slice %arg6[%dma_wait3A_969, %dma_wait3A_975, %dma_wait3A_976] : memref<32x8x128xf32, #tpu.memory_space<vmem>> -> memref<1x8x128xf32, #tpu.memory_space<vmem>>
    %dma_wait3A_978 = tpu.memref_squeeze %dma_wait3A_977 : memref<1x8x128xf32, #tpu.memory_space<vmem>> -> memref<8x128xf32, #tpu.memory_space<vmem>>
    %dma_wait3A_979 = tpu.memref_slice %arg2[%add3A_608, %multiple_of3A_606] : memref<1024x100000xf32, #tpu.memory_space<hbm>> -> memref<8x128xf32, #tpu.memory_space<hbm>>
    tpu.wait_dma2 semaphore(%arg8 : memref<!tpu.dma_semaphore, #tpu.memory_space<semaphore_mem>>) src(%dma_wait3A_979 : memref<8x128xf32, #tpu.memory_space<hbm>>) dst(%dma_wait3A_978 : memref<8x128xf32, #tpu.memory_space<vmem>>)
    %dma_wait3A_980 = arith.constant 31 : i32
    %dma_wait3A_981 = arith.constant 0 : i32
    %dma_wait3A_982 = arith.constant 0 : i32
    %dma_wait3A_983 = tpu.memref_slice %arg6[%dma_wait3A_980, %dma_wait3A_981, %dma_wait3A_982] : memref<32x8x128xf32, #tpu.memory_space<vmem>> -> memref<1x8x128xf32, #tpu.memory_space<vmem>>
    %dma_wait3A_984 = tpu.memref_squeeze %dma_wait3A_983 : memref<1x8x128xf32, #tpu.memory_space<vmem>> -> memref<8x128xf32, #tpu.memory_space<vmem>>
    %dma_wait3A_985 = tpu.memref_slice %arg2[%add3A_628, %multiple_of3A_626] : memref<1024x100000xf32, #tpu.memory_space<hbm>> -> memref<8x128xf32, #tpu.memory_space<hbm>>
    %dma_wait3A_986 = arith.constant 0 : i32
    %dma_wait3A_987 = arith.constant 0 : i32
    %dma_wait3A_988 = tpu.memref_slice %arg6[%dma_wait3A_980, %dma_wait3A_986, %dma_wait3A_987] : memref<32x8x128xf32, #tpu.memory_space<vmem>> -> memref<1x8x128xf32, #tpu.memory_space<vmem>>
    %dma_wait3A_989 = tpu.memref_squeeze %dma_wait3A_988 : memref<1x8x128xf32, #tpu.memory_space<vmem>> -> memref<8x128xf32, #tpu.memory_space<vmem>>
    %dma_wait3A_990 = tpu.memref_slice %arg2[%add3A_628, %multiple_of3A_626] : memref<1024x100000xf32, #tpu.memory_space<hbm>> -> memref<8x128xf32, #tpu.memory_space<hbm>>
    tpu.wait_dma2 semaphore(%arg8 : memref<!tpu.dma_semaphore, #tpu.memory_space<semaphore_mem>>) src(%dma_wait3A_990 : memref<8x128xf32, #tpu.memory_space<hbm>>) dst(%dma_wait3A_989 : memref<8x128xf32, #tpu.memory_space<vmem>>)
    %broadcast_in_dim3A = arith.constant 0.000000e+00 : f32
    %broadcast_in_dim3A_991 = vector.broadcast %broadcast_in_dim3A : f32 to vector<16xf32>
    %get3A_992 = arith.constant 0 : index
    %get3A_993 = tpu.vector_load %arg5[%get3A_992] {strides = array<i32>} : memref<32xi32, #tpu.memory_space<vmem>>, vector<16xi32>,
    %iota3A = tpu.iota {dimensions = array<i32: 0>} : vector<16xi32>
    %add3A_994 = arith.constant 0 : i32
    %add3A_995 = vector.broadcast %add3A_994 : i32 to vector<16xi32>
    %add3A_996 = arith.addi %iota3A, %add3A_995 : vector<16xi32>
    %and3A = arith.constant 7 : i32
    %and3A_997 = vector.broadcast %and3A : i32 to vector<16xi32>
    %and3A_998 = arith.andi %add3A_996, %and3A_997 : vector<16xi32>
    %and3A_999 = arith.constant 127 : i32
    %and3A_1000 = vector.broadcast %and3A_999 : i32 to vector<16xi32>
    %and3A_1001 = arith.andi %get3A_993, %and3A_1000 : vector<16xi32>
    %gather3A = tpu.vector_load_idx %arg6[%add3A_996, %and3A_998, %and3A_1001] : memref<32x8x128xf32, #tpu.memory_space<vmem>>[vector<16xi32>, vector<16xi32>, vector<16xi32>], vector<16xf32>,
    %bitcast_convert_type3A = tpu.bitcast %gather3A : vector<16xf32> -> vector<16xi32>
    %shift_right_logical3A_1002 = arith.constant 23 : i32
    %shift_right_logical3A_1003 = vector.broadcast %shift_right_logical3A_1002 : i32 to vector<16xi32>
    %shift_right_logical3A_1004 = arith.shrui %bitcast_convert_type3A, %shift_right_logical3A_1003 : vector<16xi32>
    %and3A_1005 = arith.constant 255 : i32
    %and3A_1006 = vector.broadcast %and3A_1005 : i32 to vector<16xi32>
    %and3A_1007 = arith.andi %shift_right_logical3A_1004, %and3A_1006 : vector<16xi32>
    %sub3A = arith.constant 127 : i32
    %sub3A_1008 = vector.broadcast %sub3A : i32 to vector<16xi32>
    %sub3A_1009 = arith.subi %and3A_1007, %sub3A_1008 : vector<16xi32>
    %convert_element_type3A = arith.sitofp %sub3A_1009 : vector<16xi32> to vector<16xf32>
    %and3A_1010 = arith.constant 8388607 : i32
    %and3A_1011 = vector.broadcast %and3A_1010 : i32 to vector<16xi32>
    %and3A_1012 = arith.andi %bitcast_convert_type3A, %and3A_1011 : vector<16xi32>
    %or3A = arith.constant 1065353216 : i32
    %or3A_1013 = vector.broadcast %or3A : i32 to vector<16xi32>
    %or3A_1014 = arith.ori %and3A_1012, %or3A_1013 : vector<16xi32>
    %bitcast_convert_type3A_1015 = tpu.bitcast %or3A_1014 : vector<16xi32> -> vector<16xf32>
    %sub3A_1016 = arith.constant 1.000000e+00 : f32
    %sub3A_1017 = vector.broadcast %sub3A_1016 : f32 to vector<16xf32>
    %sub3A_1018 = arith.subf %bitcast_convert_type3A_1015, %sub3A_1017 : vector<16xf32>
    %add3A_1019 = arith.constant 1.000000e+00 : f32
    %add3A_1020 = vector.broadcast %add3A_1019 : f32 to vector<16xf32>
    %add3A_1021 = arith.addf %bitcast_convert_type3A_1015, %add3A_1020 : vector<16xf32>
    %div3A = arith.divf %sub3A_1018, %add3A_1021 : vector<16xf32>
    %mul3A_1022 = arith.mulf %div3A, %div3A : vector<16xf32>
    %mul3A_1023 = arith.constant 2.000000e+00 : f32
    %mul3A_1024 = vector.broadcast %mul3A_1023 : f32 to vector<16xf32>
    %mul3A_1025 = arith.mulf %mul3A_1024, %div3A : vector<16xf32>
    %mul3A_1026 = arith.constant 0.111111112 : f32
    %mul3A_1027 = vector.broadcast %mul3A_1026 : f32 to vector<16xf32>
    %mul3A_1028 = arith.mulf %mul3A_1022, %mul3A_1027 : vector<16xf32>
    %add3A_1029 = arith.constant 0.142857149 : f32
    %add3A_1030 = vector.broadcast %add3A_1029 : f32 to vector<16xf32>
    %add3A_1031 = arith.addf %add3A_1030, %mul3A_1028 : vector<16xf32>
    %mul3A_1032 = arith.mulf %mul3A_1022, %add3A_1031 : vector<16xf32>
    %add3A_1033 = arith.constant 2.000000e-01 : f32
    %add3A_1034 = vector.broadcast %add3A_1033 : f32 to vector<16xf32>
    %add3A_1035 = arith.addf %add3A_1034, %mul3A_1032 : vector<16xf32>
    %mul3A_1036 = arith.mulf %mul3A_1022, %add3A_1035 : vector<16xf32>
    %add3A_1037 = arith.constant 0.333333343 : f32
    %add3A_1038 = vector.broadcast %add3A_1037 : f32 to vector<16xf32>
    %add3A_1039 = arith.addf %add3A_1038, %mul3A_1036 : vector<16xf32>
    %mul3A_1040 = arith.mulf %mul3A_1022, %add3A_1039 : vector<16xf32>
    %add3A_1041 = arith.constant 1.000000e+00 : f32
    %add3A_1042 = vector.broadcast %add3A_1041 : f32 to vector<16xf32>
    %add3A_1043 = arith.addf %add3A_1042, %mul3A_1040 : vector<16xf32>
    %mul3A_1044 = arith.mulf %mul3A_1025, %add3A_1043 : vector<16xf32>
    %mul3A_1045 = arith.constant 0.693147182 : f32
    %mul3A_1046 = vector.broadcast %mul3A_1045 : f32 to vector<16xf32>
    %mul3A_1047 = arith.mulf %convert_element_type3A, %mul3A_1046 : vector<16xf32>
    %add3A_1048 = arith.addf %mul3A_1047, %mul3A_1044 : vector<16xf32>
    %eq3A = arith.constant 0.000000e+00 : f32
    %eq3A_1049 = vector.broadcast %eq3A : f32 to vector<16xf32>
    %eq3A_1050 = arith.cmpf oeq, %gather3A, %eq3A_1049 : vector<16xf32>
    %neg3A = arith.constant 0.000000e+00 : f32
    %neg3A_1051 = vector.broadcast %neg3A : f32 to vector<16xf32>
    %neg3A_1052 = arith.subf %neg3A_1051, %add3A_1048 : vector<16xf32>
    %jit3A = arith.constant 0x7F800000 : f32
    %broadcast_in_dim3A_1053 = vector.broadcast %jit3A : f32 to vector<16xf32>
    %select_n3A = arith.select %eq3A_1050, %broadcast_in_dim3A_1053, %neg3A_1052 : vector<16xi1>, vector<16xf32>
    %add3A_1054 = arith.addf %broadcast_in_dim3A_991, %select_n3A : vector<16xf32>
    %get3A_1055 = arith.constant 16 : index
    %get3A_1056 = tpu.vector_load %arg5[%get3A_1055] {strides = array<i32>} : memref<32xi32, #tpu.memory_space<vmem>>, vector<16xi32>,
    %iota3A_1057 = tpu.iota {dimensions = array<i32: 0>} : vector<16xi32>
    %add3A_1058 = arith.constant 16 : i32
    %add3A_1059 = vector.broadcast %add3A_1058 : i32 to vector<16xi32>
    %add3A_1060 = arith.addi %iota3A_1057, %add3A_1059 : vector<16xi32>
    %and3A_1061 = arith.constant 7 : i32
    %and3A_1062 = vector.broadcast %and3A_1061 : i32 to vector<16xi32>
    %and3A_1063 = arith.andi %add3A_1060, %and3A_1062 : vector<16xi32>
    %and3A_1064 = arith.constant 127 : i32
    %and3A_1065 = vector.broadcast %and3A_1064 : i32 to vector<16xi32>
    %and3A_1066 = arith.andi %get3A_1056, %and3A_1065 : vector<16xi32>
    %gather3A_1067 = tpu.vector_load_idx %arg6[%add3A_1060, %and3A_1063, %and3A_1066] : memref<32x8x128xf32, #tpu.memory_space<vmem>>[vector<16xi32>, vector<16xi32>, vector<16xi32>], vector<16xf32>,
    %bitcast_convert_type3A_1068 = tpu.bitcast %gather3A_1067 : vector<16xf32> -> vector<16xi32>
    %shift_right_logical3A_1069 = arith.constant 23 : i32
    %shift_right_logical3A_1070 = vector.broadcast %shift_right_logical3A_1069 : i32 to vector<16xi32>
    %shift_right_logical3A_1071 = arith.shrui %bitcast_convert_type3A_1068, %shift_right_logical3A_1070 : vector<16xi32>
    %and3A_1072 = arith.constant 255 : i32
    %and3A_1073 = vector.broadcast %and3A_1072 : i32 to vector<16xi32>
    %and3A_1074 = arith.andi %shift_right_logical3A_1071, %and3A_1073 : vector<16xi32>
    %sub3A_1075 = arith.constant 127 : i32
    %sub3A_1076 = vector.broadcast %sub3A_1075 : i32 to vector<16xi32>
    %sub3A_1077 = arith.subi %and3A_1074, %sub3A_1076 : vector<16xi32>
    %convert_element_type3A_1078 = arith.sitofp %sub3A_1077 : vector<16xi32> to vector<16xf32>
    %and3A_1079 = arith.constant 8388607 : i32
    %and3A_1080 = vector.broadcast %and3A_1079 : i32 to vector<16xi32>
    %and3A_1081 = arith.andi %bitcast_convert_type3A_1068, %and3A_1080 : vector<16xi32>
    %or3A_1082 = arith.constant 1065353216 : i32
    %or3A_1083 = vector.broadcast %or3A_1082 : i32 to vector<16xi32>
    %or3A_1084 = arith.ori %and3A_1081, %or3A_1083 : vector<16xi32>
    %bitcast_convert_type3A_1085 = tpu.bitcast %or3A_1084 : vector<16xi32> -> vector<16xf32>
    %sub3A_1086 = arith.constant 1.000000e+00 : f32
    %sub3A_1087 = vector.broadcast %sub3A_1086 : f32 to vector<16xf32>
    %sub3A_1088 = arith.subf %bitcast_convert_type3A_1085, %sub3A_1087 : vector<16xf32>
    %add3A_1089 = arith.constant 1.000000e+00 : f32
    %add3A_1090 = vector.broadcast %add3A_1089 : f32 to vector<16xf32>
    %add3A_1091 = arith.addf %bitcast_convert_type3A_1085, %add3A_1090 : vector<16xf32>
    %div3A_1092 = arith.divf %sub3A_1088, %add3A_1091 : vector<16xf32>
    %mul3A_1093 = arith.mulf %div3A_1092, %div3A_1092 : vector<16xf32>
    %mul3A_1094 = arith.constant 2.000000e+00 : f32
    %mul3A_1095 = vector.broadcast %mul3A_1094 : f32 to vector<16xf32>
    %mul3A_1096 = arith.mulf %mul3A_1095, %div3A_1092 : vector<16xf32>
    %mul3A_1097 = arith.constant 0.111111112 : f32
    %mul3A_1098 = vector.broadcast %mul3A_1097 : f32 to vector<16xf32>
    %mul3A_1099 = arith.mulf %mul3A_1093, %mul3A_1098 : vector<16xf32>
    %add3A_1100 = arith.constant 0.142857149 : f32
    %add3A_1101 = vector.broadcast %add3A_1100 : f32 to vector<16xf32>
    %add3A_1102 = arith.addf %add3A_1101, %mul3A_1099 : vector<16xf32>
    %mul3A_1103 = arith.mulf %mul3A_1093, %add3A_1102 : vector<16xf32>
    %add3A_1104 = arith.constant 2.000000e-01 : f32
    %add3A_1105 = vector.broadcast %add3A_1104 : f32 to vector<16xf32>
    %add3A_1106 = arith.addf %add3A_1105, %mul3A_1103 : vector<16xf32>
    %mul3A_1107 = arith.mulf %mul3A_1093, %add3A_1106 : vector<16xf32>
    %add3A_1108 = arith.constant 0.333333343 : f32
    %add3A_1109 = vector.broadcast %add3A_1108 : f32 to vector<16xf32>
    %add3A_1110 = arith.addf %add3A_1109, %mul3A_1107 : vector<16xf32>
    %mul3A_1111 = arith.mulf %mul3A_1093, %add3A_1110 : vector<16xf32>
    %add3A_1112 = arith.constant 1.000000e+00 : f32
    %add3A_1113 = vector.broadcast %add3A_1112 : f32 to vector<16xf32>
    %add3A_1114 = arith.addf %add3A_1113, %mul3A_1111 : vector<16xf32>
    %mul3A_1115 = arith.mulf %mul3A_1096, %add3A_1114 : vector<16xf32>
    %mul3A_1116 = arith.constant 0.693147182 : f32
    %mul3A_1117 = vector.broadcast %mul3A_1116 : f32 to vector<16xf32>
    %mul3A_1118 = arith.mulf %convert_element_type3A_1078, %mul3A_1117 : vector<16xf32>
    %add3A_1119 = arith.addf %mul3A_1118, %mul3A_1115 : vector<16xf32>
    %eq3A_1120 = arith.constant 0.000000e+00 : f32
    %eq3A_1121 = vector.broadcast %eq3A_1120 : f32 to vector<16xf32>
    %eq3A_1122 = arith.cmpf oeq, %gather3A_1067, %eq3A_1121 : vector<16xf32>
    %neg3A_1123 = arith.constant 0.000000e+00 : f32
    %neg3A_1124 = vector.broadcast %neg3A_1123 : f32 to vector<16xf32>
    %neg3A_1125 = arith.subf %neg3A_1124, %add3A_1119 : vector<16xf32>
    %jit3A_1126 = arith.constant 0x7F800000 : f32
    %broadcast_in_dim3A_1127 = vector.broadcast %jit3A_1126 : f32 to vector<16xf32>
    %select_n3A_1128 = arith.select %eq3A_1122, %broadcast_in_dim3A_1127, %neg3A_1125 : vector<16xi1>, vector<16xf32>
    %add3A_1129 = arith.addf %add3A_1054, %select_n3A_1128 : vector<16xf32>
    %swap3A = arith.constant 0 : index
    %swap3A_1130 = tpu.vector_load %arg7[%swap3A] {strides = array<i32>} : memref<16xf32, #tpu.memory_space<vmem>>, vector<16xf32>,
    tpu.vector_store %arg7[%swap3A], %add3A_1129 {strides = array<i32>} : memref<16xf32, #tpu.memory_space<vmem>>, vector<16xf32>,
    "tpu.region"() ({
      %run_scoped3A = tpu.sem_alloc : memref<!tpu.dma_semaphore, #tpu.memory_space<semaphore_mem>>
      %dma_start3A_1131 = arith.constant 0 : i32
      %dma_start3A_1132 = tpu.memref_slice %arg4[%add3A, %dma_start3A_1131] : memref<32x16xf32, #tpu.memory_space<hbm>> -> memref<1x16xf32, #tpu.memory_space<hbm>>
      %dma_start3A_1133 = tpu.memref_squeeze %dma_start3A_1132 : memref<1x16xf32, #tpu.memory_space<hbm>> -> memref<16xf32, #tpu.memory_space<hbm>>
      %dma_start3A_1134 = arith.constant 0 : i32
      %dma_start3A_1135 = tpu.memref_slice %arg4[%add3A, %dma_start3A_1134] : memref<32x16xf32, #tpu.memory_space<hbm>> -> memref<1x16xf32, #tpu.memory_space<hbm>>
      %dma_start3A_1136 = tpu.memref_squeeze %dma_start3A_1135 : memref<1x16xf32, #tpu.memory_space<hbm>> -> memref<16xf32, #tpu.memory_space<hbm>>
      tpu.enqueue_dma source(%arg7 : memref<16xf32, #tpu.memory_space<vmem>>) target(%dma_start3A_1136 : memref<16xf32, #tpu.memory_space<hbm>>) target_semaphore(%run_scoped3A : memref<!tpu.dma_semaphore, #tpu.memory_space<semaphore_mem>>)
      %dma_wait3A_1137 = arith.constant 0 : i32
      %dma_wait3A_1138 = tpu.memref_slice %arg4[%add3A, %dma_wait3A_1137] : memref<32x16xf32, #tpu.memory_space<hbm>> -> memref<1x16xf32, #tpu.memory_space<hbm>>
      %dma_wait3A_1139 = tpu.memref_squeeze %dma_wait3A_1138 : memref<1x16xf32, #tpu.memory_space<hbm>> -> memref<16xf32, #tpu.memory_space<hbm>>
      %dma_wait3A_1140 = arith.constant 0 : i32
      %dma_wait3A_1141 = tpu.memref_slice %arg4[%add3A, %dma_wait3A_1140] : memref<32x16xf32, #tpu.memory_space<hbm>> -> memref<1x16xf32, #tpu.memory_space<hbm>>
      %dma_wait3A_1142 = tpu.memref_squeeze %dma_wait3A_1141 : memref<1x16xf32, #tpu.memory_space<hbm>> -> memref<16xf32, #tpu.memory_space<hbm>>
      tpu.wait_dma2 semaphore(%run_scoped3A : memref<!tpu.dma_semaphore, #tpu.memory_space<semaphore_mem>>) src(%arg7 : memref<16xf32, #tpu.memory_space<vmem>>) dst(%dma_wait3A_1142 : memref<16xf32, #tpu.memory_space<hbm>>)
      tpu.yield
    }) : () -> ()
    return
  }
}

</mosaic_0001>

<sc_bundles>
// kernel: kernel.3.cloned.1.call-start
scs
__scs_entry_jumppad:
0x0: {  	(pc) =	sbr.rel $0x88, $3  }
0x1: {  	(tag) =	ssettag $0x0;
	lr =	simm.s32 $0x1  }
0x2: {  	[smem:$0x3F9F] =	sst lr;
	_ =	strace $0xD0000000  }
0x3: {  	_ = 	snop  }
0x4: {  	_ = 	snop  }
0x5: {  	_ = 	snop  }
0x6: {  	_ = 	snop  }
0x7: {  	_ = 	snop  }
__scs_overlays_trampoline_lowered:
0x8: {  	[smem:$0x3FAE] =	sst s0  }
0x9: {  	[smem:$0x3FAF] =	sst s1  }
0xa: {  	[smem:$0x3FB0] =	sst s2  }
0xb: {  	[smem:$0x3FB1] =	sst s3  }
0xc: {  	[smem:$0x3FB2] =	sst s4  }
0xd: {  	[smem:$0x3FB3] =	sst s5  }
0xe: {  	[smem:$0x3FB4] =	sst s6  }
0xf: {  	[smem:$0x3FB5] =	sst s7  }
0x10: {  	[smem:$0x3FB6] =	sst s8  }
0x11: {  	[smem:$0x3FB7] =	sst s9;
	s0 =	simm.s32 @!p0 $0x0  }
0x12: {  	s1 =	sld [smem:$0x3F9D];
	s0 =	simm.s32 @p0 $0x1  }
0x13: {  	[smem:$0x3FB8] =	sst s0;
	s0 =	simm.s32 @!p1 $0x0  }
0x14: {  	s2 =	sld [smem:$0x3F9C];
	s0 =	simm.s32 @p1 $0x1  }
0x15: {  	[smem:$0x3FB9] =	sst s0;
	s0 =	simm.s32 @!p2 $0x0  }
0x16: {  	s3 =	sld [smem:$0x3FDB];
	s0 =	simm.s32 @p2 $0x1  }
0x17: {  	s4 =	simm.s32 $0x1BF5;
	[smem:$0x3FBB] =	sst s0  }
0x18: {  	s0 =	sld [smem:$0x3F9E];
	_ =	swait.ge [sflag:s4], $0x0  }
0x19: {  	s7 =	sld [smem:$0x3F9F]  }
0x1a: {  	s8 =	sadd.s32 $0xFFFFE003, lr  }
0x1b: {  	s9 =	sadd.s32 $0xFFFFFEF7, lr;
	s5 =	simm.s32 $0xFFFFFFFF;
	p2 =	slt.u32 s8, $0xFFFFF086  }
0x1c: {  	p1 =	slt.u32 s9, $0xF7A;
	s5 =	simm.s32 @!p2 $0x0  }
0x1d: {  	s5 =	simm.s32 @p1 $0x1;
	p0 =	seq.s32 s7, s2  }
0x1e: {  	s7 =	smul.u32 @!p0 $0xF7A, s2;
	p2 =	seq.s32 @!p0 s5, $0x0  }
0x1f: {  	s9 =	smul.u32 $0xF7A, s1;
	s8 =	simm.s32 @!p0 $0x1BF5;
	p2 =	por !p2, p0  }
0x20: {  	[sflag:s8] =	ssyncset.s32 @!p0 $0xFFFFF086;
	s6 =	sadd.s32 @!p0 s3, s7;
	s7 =	simm.s32 @!p0 $0x108  }
0x21: {  	s3 =	sadd.s32 s3, s9;
	s6 =	sadd.s32 @!p0 $0x88, s6;
	s7 =	simm.s32 @p2 $0x1082  }
0x22: {  	[simem:s7], [sflag:s8] =	dma.local @!p0 [hbm:s6], $0xF7A  }
0x23: {  	s9 =	sor.u32 $0xD0000000, s2;
	s6 =	simm.s32 $0x108;
	_ =	swait.ge @!p0 [sflag:s8], $0x0  }
0x24: {  	s3 =	sadd.s32 $0x88, s3;
	s6 =	simm.s32 @!p1 $0x1082;
	[sflag:s4] =	ssyncset.s32 $0xFFFFF086  }
0x25: {  	[simem:s6], [sflag:s4] =	dma.local [hbm:s3], $0xF7A  }
0x26: {  	[smem:$0x3F9F] =	sst s1;
	(tag) =	ssettag s2;
	_ =	strace s9  }
0x27: {  	s1 =	sld [smem:$0x3FAF]  }
0x28: {  	s2 =	sld [smem:$0x3FB0]  }
0x29: {  	s4 =	sld [smem:$0x3FB2]  }
0x2a: {  	p0 =	seq.s32 s5, $0x0;
	s5 =	sld [smem:$0x3FB3]  }
0x2b: {  	s6 =	sld [smem:$0x3FB4]  }
0x2c: {  	s7 =	sld [smem:$0x3FB5]  }
0x2d: {  	s3 =	simm.s32 $0x108;
	s8 =	sld [smem:$0x3FB6]  }
0x2e: {  	s3 =	simm.s32 @!p0 $0x1082;
	s9 =	sld [smem:$0x3FB7]  }
0x2f: {  	lr =	sadd.s32 s0, s3;
	s0 =	sld [smem:$0x3FAE]  }
0x30: {  	s3 =	sld [smem:$0x3FB1]  }
0x31: {  	[smem:$0x3FBA] =	sst s10  }
0x32: {  	s10 =	sld [smem:$0x3FB8];
	_ =	sdelay $0x3  }
0x33: {  	p0 =	seq.s32 s10, $0x1;
	s10 =	sld [smem:$0x3FBA];
	_ =	sdelay $0x3  }
0x34: {  	[smem:$0x3FBA] =	sst s10  }
0x35: {  	s10 =	sld [smem:$0x3FB9];
	_ =	sdelay $0x3  }
0x36: {  	p1 =	seq.s32 s10, $0x1;
	s10 =	sld [smem:$0x3FBA];
	_ =	sdelay $0x3  }
0x37: {  	[smem:$0x3FBA] =	sst s10  }
0x38: {  	s10 =	sld [smem:$0x3FBB]  }
0x39: {  	_ = 	snop;
	(pc) =	sbr.ind lr, $3  }
0x3a: {  	_ = 	snop  }
0x3b: {  	_ = 	snop  }
0x3c: {  	p2 =	seq.s32 s10, $0x1;
	s10 =	sld [smem:$0x3FBA]  }
0x3d: {  	_ =	shalt  }
0x3e: {  	_ =	shalt  }
0x3f: {  	_ =	shalt  }
0x40: {  	_ =	shalt  }
0x41: {  	_ =	shalt  }
0x42: {  	_ =	shalt  }
0x43: {  	_ =	shalt  }
0x44: {  	_ =	shalt  }
0x45: {  	_ =	shalt  }
0x46: {  	_ =	shalt  }
0x47: {  	_ =	shalt  }
0x48: {  	_ =	shalt  }
0x49: {  	_ =	shalt  }
0x4a: {  	_ =	shalt  }
0x4b: {  	_ =	shalt  }
0x4c: {  	_ =	shalt  }
0x4d: {  	_ =	shalt  }
0x4e: {  	_ =	shalt  }
0x4f: {  	_ =	shalt  }
0x50: {  	_ =	shalt  }
0x51: {  	_ =	shalt  }
0x52: {  	_ =	shalt  }
0x53: {  	_ =	shalt  }
0x54: {  	_ =	shalt  }
0x55: {  	_ =	shalt  }
0x56: {  	_ =	shalt  }
0x57: {  	_ =	shalt  }
0x58: {  	_ =	shalt  }
0x59: {  	_ =	shalt  }
0x5a: {  	_ =	shalt  }
0x5b: {  	_ =	shalt  }
0x5c: {  	_ =	shalt  }
0x5d: {  	_ =	shalt  }
0x5e: {  	_ =	shalt  }
0x5f: {  	_ =	shalt  }
0x60: {  	_ =	shalt  }
0x61: {  	_ =	shalt  }
0x62: {  	_ =	shalt  }
0x63: {  	_ =	shalt  }
0x64: {  	_ =	shalt  }
0x65: {  	_ =	shalt  }
0x66: {  	_ =	shalt  }
0x67: {  	_ =	shalt  }
0x68: {  	_ =	shalt  }
0x69: {  	_ =	shalt  }
0x6a: {  	_ =	shalt  }
0x6b: {  	_ =	shalt  }
0x6c: {  	_ =	shalt  }
0x6d: {  	_ =	shalt  }
0x6e: {  	_ =	shalt  }
0x6f: {  	_ =	shalt  }
0x70: {  	_ =	shalt  }
0x71: {  	_ =	shalt  }
0x72: {  	_ =	shalt  }
0x73: {  	_ =	shalt  }
0x74: {  	_ =	shalt  }
0x75: {  	_ =	shalt  }
0x76: {  	_ =	shalt  }
0x77: {  	_ =	shalt  }
0x78: {  	_ =	shalt  }
0x79: {  	_ =	shalt  }
0x7a: {  	_ =	shalt  }
0x7b: {  	_ =	shalt  }
0x7c: {  	_ =	shalt  }
0x7d: {  	_ =	shalt  }
0x7e: {  	_ =	shalt  }
0x7f: {  	_ =	shalt  }
0x80: {  	_ =	shalt  }
0x81: {  	_ =	shalt  }
0x82: {  	_ =	shalt  }
0x83: {  	_ =	shalt  }
0x84: {  	_ =	shalt  }
0x85: {  	_ =	shalt  }
0x86: {  	_ =	shalt  }
0x87: {  	_ =	shalt  }
.Lfunc_end0:
.L_simem_size_0:
called_computation_lowered:
.L_overlay_start_0:
0x88: {  	s2 =	sld [smem:$0x3FD9]  }
0x89: {  	s3 =	sld [smem:$0x3FFE];
	_ =	sdelay $0x1  }
0x8a: {  	s1 =	srdreg.scid  }
0x8b: {  	s0 =	sand.u32 $0x1, s1  }
0x8c: {  	s17 =	sshll.u32 s0, $0xA;
	s2 =	sadd.s32 s3, s2  }
0x8d: {  	s2 =	sadd.s32 s2, s17  }
0x8e: {  	[smem:$0x3FC6] =	sst s2  }
0x8f: {  	_ = 	snop  }
0x90: {  	s2 =	sld [smem:$0x3FC8];
	(tm) =	ssettm $0x1  }
0x91: {  	s18 =	sld [smem:$0x3FFB];
	_ =	sdelay $0x3  }
0x92: {  	_ =	strace s18  }
0x93: {  	s3 =	sld [smem:$0x3FFC];
	_ =	sdelay $0x3  }
0x94: {  	_ =	strace s3  }
0x95: {  	s3 =	sld [smem:$0x3FFD];
	_ =	sdelay $0x3  }
0x96: {  	_ =	strace s3  }
0x97: {  	_ =	strace $0x8FFFFFFF  }
0x98: {  	s19 =	sld [smem:$0x3FDB];
	_ =	sdelay $0x1  }
0x99: {  	s4 =	simm.s32 $_scs_section_size  }
0x9a: {  	s5 =	simm.s32 $_size__tile_overlayer_lowered;
	s6 =	simm.s32 $_tile_overlayer_lowered  }
0x9b: {  	s22 =	simm.s32 $0x1BFF;
	s21 =	sshll.u32 s6, $0x1;
	s3 =	sadd.s32 s4, s19  }
0x9c: {  	s7 =	simm.s32 $0x0;
	s20 =	sshll.u32 s5, $0x1;
	s5 =	sadd.s32 s21, s3  }
0x9d: {  	[timem:s7], [sflag:s22] =	dma.local [hbm:s5], s20  }
0x9e: {  	_ =	swait.ge [sflag:s22], s20  }
0x9f: {  	s4 =	ssub.s32 $0x0, s20;
	[sflag:s22] =	ssyncset.done $0x0  }
0xa0: {  	[sflag:s22] =	ssyncadd.s32 s4;
	_ =	sdelay $0x1  }
0xa1: {  	s23 =	simm.s32 $0x1B8B  }
0xa2: {  	_ =	swait.ge [sflag:s23], $0x1  }
0xa3: {  	[sflag:s23] =	ssyncset.done $0x0  }
0xa4: {  	s25 =	simm.s32 $0x1B8E;
	s24 =	sld [smem:$0x3FFE];
	[sflag:s23] =	ssyncadd.s32 $0xFFFFFFFF  }
0xa5: {  	s26 =	simm.s32 $execute0_lowered;
	[smem:$0x3FD2] =	sst s25  }
0xa6: {  	s5 =	sshll.u32 s26, $0x1;
	_ =	strace $0x80000046;
	[dreg:$0x1] =	wrdreg $0xFFFFFFFF  }
0xa7: {  	s28 =	simm.s32 $_size_execute0_lowered;
	s3 =	sadd.s32 s3, s5;
	[dreg:$0x0] =	wrdreg $0x0  }
0xa8: {  	s5 =	sshll.u32 s28, $0x1;
	[dreg:$0x2] =	wrdreg s3  }
0xa9: {  	[dreg:$0x3] =	wrdreg s5  }
0xaa: {  	[dreg:$0x4] =	wrdreg $0xC0  }
0xab: {  	_ =	task [dreg:s7], $0x5FFFF  }
0xac: {  	[dreg:$0x1] =	wrdreg $0xFFFFFFFF  }
0xad: {  	[dreg:$0x0] =	wrdreg $0x60  }
0xae: {  	[dreg:$0x2] =	wrdreg s24  }
0xaf: {  	[dreg:$0x3] =	wrdreg s2  }
0xb0: {  	[dreg:$0x4] =	wrdreg $0x9  }
0xb1: {  	_ =	task.clear_ibuf [dreg:s7], $0x5FFFF;
	_ =	strace $0x90000046  }
0xb2: {  	s29 =	simm.s32 $0x9;
	_ =	strace $0x80000048  }
0xb3: {  	_ =	swait.ge [sflag:s29], $0x1  }
0xb4: {  	[sflag:s29] =	ssyncadd.s32 $0xFFFFFFFF  }
0xb5: {  	_ =	strace $0x90000048  }
0xb6: {  	_ =	sfence  }
0xb7: {  	s30 =	sld [smem:$0x0];
	_ =	sdelay $0x2  }
0xb8: {  	s31 =	sshll.u32 s1, $0xD;
	s1 =	sshrl.u32 s1, $0x2  }
0xb9: {  	s3 =	sand.u32 $0x4000, s31;
	s1 =	sadd.s32 s1, s30  }
0xba: {  	s0 =	sor.u32 s3, s0;
	s1 =	sshll.u32 s1, $0x11  }
0xbb: {  	s0 =	sor.u32 s1, s0  }
0xbc: {  	s0 =	sadd.s32 $0x8F2B, s0  }
0xbd: {  	[sflag:s0] =	ssyncadd.remote.s32 $0x1  }
0xbe: {  	_ =	sfence.sel $0xFFFF  }
0xbf: {  	[dreg:$0x0] =	wrdreg $0xFFFFFFFF;
	(pc) =	sbr.abs _section_cstart, $3  }
0xc0: {  	[dreg:$0x1] =	wrdreg $0xFFFFFFFF  }
0xc1: {  	_ =	task.clear_ibuf [dreg:s7], $0x2FFFF;
	_ =	strace $0x9FFFFFFF  }
0xc2: {  	(tm) =	ssettm $0x7FFFFFFF  }
0xc3: {  	_ =	shalt  }
tec
execute0_lowered:
.L_overlay_start_1:
0x0: {  	(tag) =	ssettag $0x1  }
0x1: {  	s3 =	rddreg [dreg:$0x0]  }
0x2: {  	s1 =	srdreg.scid;
	s4 =	rddreg [dreg:$0x1]  }
0x3: {  	s2 =	simm.s32 $0x0;
	s11 =	sand.u32 $0x1, s1;
	s1 =	rddreg [dreg:$0x2]  }
0x4: {  	s12 =	simm.s32 $0x480;
	[smem:$0x7FF] =	sst s2  }
0x5: {  	s13 =	simm.s32 $0x880;
	_ =	strace $0x80000047;
	[dreg:$0x5] =	wrdreg s12  }
0x6: {  	s14 =	simm.s32 $0xC80;
	[dreg:$0x6] =	wrdreg s13  }
0x7: {  	s15 =	simm.s32 $0x1080;
	[dreg:$0x7] =	wrdreg s14  }
0x8: {  	s16 =	simm.s32 $0x1480;
	[dreg:$0x8] =	wrdreg s15  }
0x9: {  	s17 =	simm.s32 $0x1880;
	[dreg:$0x9] =	wrdreg s16  }
0xa: {  	s18 =	simm.s32 $0x1C80;
	[dreg:$0xa] =	wrdreg s17  }
0xb: {  	s19 =	simm.s32 $0x2080;
	[dreg:$0xb] =	wrdreg s18  }
0xc: {  	s20 =	simm.s32 $0x2480;
	[dreg:$0xc] =	wrdreg s19  }
0xd: {  	s21 =	simm.s32 $0x2880;
	[dreg:$0xd] =	wrdreg s20  }
0xe: {  	s22 =	simm.s32 $0x2C80;
	[dreg:$0xe] =	wrdreg s21  }
0xf: {  	s23 =	simm.s32 $0x3080;
	[dreg:$0xf] =	wrdreg s22  }
0x10: {  	s24 =	simm.s32 $0x3480;
	[dreg:$0x10] =	wrdreg s23  }
0x11: {  	s25 =	simm.s32 $0x3880;
	[dreg:$0x11] =	wrdreg s24  }
0x12: {  	s26 =	simm.s32 $0x3C80;
	[dreg:$0x12] =	wrdreg s25  }
0x13: {  	s28 =	simm.s32 $0x4080;
	[dreg:$0x13] =	wrdreg s26  }
0x14: {  	s29 =	simm.s32 $0x4480;
	[dreg:$0x14] =	wrdreg s28  }
0x15: {  	s30 =	simm.s32 $0x4880;
	[dreg:$0x15] =	wrdreg s29  }
0x16: {  	s31 =	simm.s32 $0x4C80;
	[dreg:$0x16] =	wrdreg s30  }
0x17: {  	s8 =	simm.s32 $0x5880;
	[dreg:$0x17] =	wrdreg s31  }
0x18: {  	s9 =	simm.s32 $0x5C80;
	[dreg:$0x1a] =	wrdreg s8  }
0x19: {  	[dreg:$0x1b] =	wrdreg s9;
	s12 =	simm.s32 $0x6480  }
0x1a: {  	s13 =	simm.s32 $0x6880;
	[dreg:$0x1d] =	wrdreg s12  }
0x1b: {  	s14 =	simm.s32 $0x6C80;
	[dreg:$0x1e] =	wrdreg s13  }
0x1c: {  	s15 =	simm.s32 $0x7080;
	[dreg:$0x1f] =	wrdreg s14  }
0x1d: {  	s0 =	stileid.u32;
	s16 =	simm.s32 $0x7480;
	[smem:$0x7FA] =	sst s15  }
0x1e: {  	s5 =	sshll.u32 s0, $0x1;
	s17 =	simm.s32 $0x7880;
	[smem:$0x7FB] =	sst s16  }
0x1f: {  	s5 =	sor.u32 s11, s5;
	s18 =	simm.s32 $0x7C80;
	[smem:$0x7FC] =	sst s17  }
0x20: {  	s20 =	simm.s32 $0x8080;
	s7 =	sshll.u32 s5, $0x2;
	[smem:$0x7FD] =	sst s18  }
0x21: {  	s6 =	sshll.u32 s5, $0x4;
	[smem:$0x7F9] =	sst s20;
	s4 =	sadd.s32 s4, s7  }
0x22: {  	s6 =	sadd.s32 s6, s3;
	s7 =	simm.s32 $0x5480;
	[dreg:$0x3] =	wrdreg s4  }
0x23: {  	s10 =	sadd.s32 $0xC38000, s6;
	[dreg:$0x19] =	wrdreg s7  }
0x24: {  	s6 =	simm.s32 $0x5080;
	[dreg:$0x4] =	wrdreg s10  }
0x25: {  	[dreg:$0x18] =	wrdreg s6  }
0x26: {  	s10 =	simm.s32 $0x6080;
	s19 =	rddreg [dreg:$0x3]  }
0x27: {  	s4 =	simm.s32 $0x2;
	[dreg:$0x1c] =	wrdreg s10  }
0x28: {  	[tilespmem:s2], [sflag:$0x2] =	stream.linear.gather [hbm4b:s19+s2], $0x20, $0x38;
	[tilespmem:$0x8100] =	vst v63  }
0x29: {  	_ =	swait.ge [sflag:s4], $0x20  }
0x2a: {  	[sflag:s4] =	ssyncset.done $0x0  }
0x2b: {  	[sflag:s4] =	ssyncadd.s32 $0xFFFFFFE0  }
0x2c: {  	v0 =	vld [tilespmem:$0x0];
	_ =	sdelay $0x4  }
0x2d: {  	v0 =	vshll.u32 v0, $0x3  }
0x2e: {  	(v2sf) =	vpush v0, $0x0  }
0x2f: {  	(v2sf) =	vpush v0, $0x1  }
0x30: {  	(v2sf) =	vpush v0, $0x2;
	_ =	sdelay $0x1  }
0x31: {  	(v2sf) =	vpush v0, $0x3  }
0x32: {  	(v2sf) =	vpush v0, $0x4;
	_ =	sdelay $0x3  }
0x33: {  	(v2sf) =	vpush v0, $0x5  }
0x34: {  	s8 =	rddreg [dreg:$0x6]  }
0x35: {  	s10 =	rddreg [dreg:$0x5]  }
0x36: {  	s24 =	rddreg [dreg:$0x8]  }
0x37: {  	s5 =	smul.u32 $0x30E000, s5;
	s28 =	rddreg [dreg:$0x7]  }
0x38: {  	s7 =	simm.s32 $0x80;
	s31 =	rddreg [dreg:$0x9];
	(v2sf) =	vpush v0, $0x6  }
0x39: {  	s6 =	sadd.s32 $0xC3800, s5;
	s15 =	rddreg [dreg:$0xb];
	s9 =	spop (v2sf)  }
0x3a: {  	s18 =	rddreg [dreg:$0xa];
	s9 =	sand.u32 $0x7FFFFC00, s9;
	s12 =	spop (v2sf)  }
0x3b: {  	s9 =	sadd.s32 s5, s9;
	s12 =	sand.u32 $0x7FFFFC00, s12;
	s13 =	spop (v2sf)  }
0x3c: {  	(v2sf) =	vpush v0, $0x7;
	s9 =	sshrl.u32 s9, $0x3;
	s12 =	sadd.s32 s5, s12;
	s13 =	sand.u32 $0x7FFFFC00, s13  }
0x3d: {  	s23 =	spop (v2sf);
	s9 =	sadd.s32 s3, s9;
	s12 =	sshrl.u32 s12, $0x3  }
0x3e: {  	(v2sf) =	vpush v0, $0x8;
	s13 =	sadd.s32 s5, s13;
	s26 =	sand.u32 $0x7FFFFC00, s23;
	s29 =	spop (v2sf)  }
0x3f: {  	[tilespmem:s7], [sflag:$0x1] =	stream.linear.gather [hbm4b:s9+s2], $0x400, $0x38;
	[tilespmem:$0x8100] =	vst v63  }
0x40: {  	(v2sf) =	vpush v0, $0x9;
	s21 =	sadd.s32 s3, s12;
	s22 =	sshrl.u32 s13, $0x3;
	s12 =	sadd.s32 s5, s26  }
0x41: {  	(v2sf) =	vpush v0, $0xA;
	[tilespmem:s10], [sflag:$0x1] =	stream.linear.gather [hbm4b:s21+s2], $0x400, $0x38;
	[tilespmem:$0x8100] =	vst v63  }
0x42: {  	(v2sf) =	vpush v0, $0xB;
	s30 =	spop (v2sf);
	s25 =	sadd.s32 s3, s22;
	s10 =	sand.u32 $0x7FFFFC00, s29  }
0x43: {  	s12 =	sshrl.u32 s12, $0x3;
	s13 =	sand.u32 $0x7FFFFC00, s30;
	s10 =	sadd.s32 s5, s10  }
0x44: {  	[tilespmem:s8], [sflag:$0x1] =	stream.linear.gather [hbm4b:s25+s2], $0x400, $0x38;
	[tilespmem:$0x8100] =	vst v63  }
0x45: {  	(v2sf) =	vpush v0, $0xC;
	s12 =	sadd.s32 s3, s12;
	s13 =	sadd.s32 s5, s13;
	s10 =	sshrl.u32 s10, $0x3  }
0x46: {  	[tilespmem:s28], [sflag:$0x1] =	stream.linear.gather [hbm4b:s12+s2], $0x400, $0x38;
	[tilespmem:$0x8100] =	vst v63  }
0x47: {  	s14 =	spop (v2sf);
	s10 =	sadd.s32 s3, s10;
	s12 =	sshrl.u32 s13, $0x3  }
0x48: {  	[tilespmem:s24], [sflag:$0x1] =	stream.linear.gather [hbm4b:s10+s2], $0x400, $0x38;
	[tilespmem:$0x8100] =	vst v63  }
0x49: {  	s17 =	sand.u32 $0x7FFFFC00, s14;
	s21 =	rddreg [dreg:$0xc];
	s16 =	sadd.s32 s3, s12  }
0x4a: {  	[tilespmem:s31], [sflag:$0x1] =	stream.linear.gather [hbm4b:s16+s2], $0x400, $0x38;
	[tilespmem:$0x8100] =	vst v63  }
0x4b: {  	s28 =	rddreg [dreg:$0xd];
	s12 =	sadd.s32 s5, s17;
	s19 =	spop (v2sf)  }
0x4c: {  	s12 =	sshrl.u32 s12, $0x3;
	s24 =	rddreg [dreg:$0xe];
	s10 =	sand.u32 $0x7FFFFC00, s19  }
0x4d: {  	s12 =	sadd.s32 s3, s12;
	s20 =	spop (v2sf);
	s10 =	sadd.s32 s5, s10  }
0x4e: {  	(v2sf) =	vpush v0, $0xD;
	[tilespmem:s18], [sflag:$0x1] =	stream.linear.gather [hbm4b:s12+s2], $0x400, $0x38;
	[tilespmem:$0x8100] =	vst v63  }
0x4f: {  	s13 =	sand.u32 $0x7FFFFC00, s20;
	s23 =	spop (v2sf);
	s10 =	sshrl.u32 s10, $0x3  }
0x50: {  	(v2sf) =	vpush v0, $0xE;
	s22 =	sadd.s32 s6, s13;
	s26 =	sand.u32 $0x7FFFFC00, s23;
	s29 =	spop (v2sf)  }
0x51: {  	(v2sf) =	vpush v0, $0xF;
	s10 =	sadd.s32 s3, s10;
	s12 =	sshrl.u32 s22, $0x3;
	s30 =	spop (v2sf)  }
0x52: {  	[tilespmem:s15], [sflag:$0x1] =	stream.linear.gather [hbm4b:s10+s2], $0x400, $0x38;
	[tilespmem:$0x8100] =	vst v63  }
0x53: {  	s25 =	sadd.s32 s3, s12;
	s12 =	sadd.s32 s6, s26;
	s10 =	sand.u32 $0x7FFFFC00, s29  }
0x54: {  	s13 =	sand.u32 $0x7FFFFC00, s30;
	s15 =	spop (v2sf);
	s12 =	sshrl.u32 s12, $0x3  }
0x55: {  	[tilespmem:s21], [sflag:$0x1] =	stream.linear.gather [hbm4b:s25+s2], $0x400, $0x38;
	[tilespmem:$0x8100] =	vst v63  }
0x56: {  	s10 =	sadd.s32 s6, s10;
	s14 =	sadd.s32 s6, s13;
	s12 =	sadd.s32 s3, s12  }
0x57: {  	[tilespmem:s28], [sflag:$0x1] =	stream.linear.gather [hbm4b:s12+s2], $0x400, $0x38;
	[tilespmem:$0x8100] =	vst v63  }
0x58: {  	s18 =	sand.u32 $0x7FFFFC00, s15;
	s10 =	sshrl.u32 s10, $0x3;
	s12 =	sshrl.u32 s14, $0x3  }
0x59: {  	s10 =	sadd.s32 s3, s10;
	s17 =	sadd.s32 s3, s12;
	s12 =	sadd.s32 s6, s18  }
0x5a: {  	[tilespmem:s24], [sflag:$0x1] =	stream.linear.gather [hbm4b:s10+s2], $0x400, $0x38;
	[tilespmem:$0x8100] =	vst v63  }
0x5b: {  	s31 =	rddreg [dreg:$0xf];
	s12 =	sshrl.u32 s12, $0x3  }
0x5c: {  	[tilespmem:s31], [sflag:$0x1] =	stream.linear.gather [hbm4b:s17+s2], $0x400, $0x38;
	[tilespmem:$0x8100] =	vst v63  }
0x5d: {  	s19 =	rddreg [dreg:$0x10];
	s12 =	sadd.s32 s3, s12;
	s20 =	spop (v2sf)  }
0x5e: {  	[tilespmem:s19], [sflag:$0x1] =	stream.linear.gather [hbm4b:s12+s2], $0x400, $0x38;
	[tilespmem:$0x8100] =	vst v63  }
0x5f: {  	s16 =	rddreg [dreg:$0x11];
	s10 =	sand.u32 $0x7FFFFC00, s20;
	s21 =	spop (v2sf)  }
0x60: {  	s10 =	sadd.s32 s6, s10;
	s13 =	sand.u32 $0x7FFFFC00, s21;
	s24 =	spop (v2sf)  }
0x61: {  	s10 =	sshrl.u32 s10, $0x3;
	s23 =	sadd.s32 s6, s13;
	s26 =	sand.u32 $0x7FFFFC00, s24  }
0x62: {  	s10 =	sadd.s32 s3, s10;
	s12 =	sshrl.u32 s23, $0x3;
	s28 =	sadd.s32 s6, s26  }
0x63: {  	[tilespmem:s16], [sflag:$0x1] =	stream.linear.gather [hbm4b:s10+s2], $0x400, $0x38;
	[tilespmem:$0x8100] =	vst v63  }
0x64: {  	s22 =	rddreg [dreg:$0x12];
	s25 =	sadd.s32 s3, s12;
	s8 =	sshrl.u32 s28, $0x3  }
0x65: {  	[tilespmem:s22], [sflag:$0x1] =	stream.linear.gather [hbm4b:s25+s2], $0x400, $0x38;
	[tilespmem:$0x8100] =	vst v63  }
0x66: {  	s29 =	rddreg [dreg:$0x13];
	s8 =	sadd.s32 s3, s8  }
0x67: {  	[tilespmem:s29], [sflag:$0x1] =	stream.linear.gather [hbm4b:s8+s2], $0x400, $0x38;
	[tilespmem:$0x8100] =	vst v63  }
0x68: {  	v0 =	vld [tilespmem:$0x10];
	_ =	sdelay $0x4  }
0x69: {  	v0 =	vshll.u32 v0, $0x3  }
0x6a: {  	(v2sf) =	vpush v0, $0x3  }
0x6b: {  	(v2sf) =	vpush v0, $0x2  }
0x6c: {  	(v2sf) =	vpush v0, $0x0;
	_ =	sdelay $0x3  }
0x6d: {  	(v2sf) =	vpush v0, $0x1;
	_ =	sdelay $0x8  }
0x6e: {  	s30 =	spop (v2sf);
	(v2sf) =	vpush v0, $0x4  }
0x6f: {  	s31 =	spop (v2sf)  }
0x70: {  	(v2sf) =	vpush v0, $0x5;
	s14 =	spop (v2sf)  }
0x71: {  	s8 =	sadd.s32 $0x187000, s5;
	s12 =	sand.u32 $0x7FFFFC00, s14  }
0x72: {  	(v2sf) =	vpush v0, $0x6;
	s12 =	sadd.s32 s8, s12  }
0x73: {  	s12 =	sshrl.u32 s12, $0x3  }
0x74: {  	s15 =	rddreg [dreg:$0x14];
	s16 =	spop (v2sf);
	s12 =	sadd.s32 s3, s12  }
0x75: {  	(v2sf) =	vpush v0, $0x7;
	[tilespmem:s15], [sflag:$0x1] =	stream.linear.gather [hbm4b:s12+s2], $0x400, $0x38;
	[tilespmem:$0x8100] =	vst v63  }
0x76: {  	s12 =	sand.u32 $0x7FFFFC00, s16  }
0x77: {  	s17 =	rddreg [dreg:$0x15];
	s10 =	sand.u32 $0x7FFFFC00, s31;
	s12 =	sadd.s32 s8, s12  }
0x78: {  	s9 =	sand.u32 $0x7FFFFC00, s30;
	s10 =	sadd.s32 s8, s10;
	s12 =	sshrl.u32 s12, $0x3  }
0x79: {  	s9 =	sadd.s32 s8, s9;
	s10 =	sshrl.u32 s10, $0x3;
	s12 =	sadd.s32 s3, s12  }
0x7a: {  	[tilespmem:s17], [sflag:$0x1] =	stream.linear.gather [hbm4b:s12+s2], $0x400, $0x38;
	[tilespmem:$0x8100] =	vst v63  }
0x7b: {  	s18 =	rddreg [dreg:$0x16];
	s9 =	sshrl.u32 s9, $0x3;
	s10 =	sadd.s32 s3, s10  }
0x7c: {  	[tilespmem:s18], [sflag:$0x1] =	stream.linear.gather [hbm4b:s10+s2], $0x400, $0x38;
	[tilespmem:$0x8100] =	vst v63  }
0x7d: {  	s19 =	rddreg [dreg:$0x17];
	s9 =	sadd.s32 s3, s9;
	s20 =	spop (v2sf);
	(v2sf) =	vpush v0, $0x8  }
0x7e: {  	[tilespmem:s19], [sflag:$0x1] =	stream.linear.gather [hbm4b:s9+s2], $0x400, $0x38;
	[tilespmem:$0x8100] =	vst v63  }
0x7f: {  	s24 =	rddreg [dreg:$0x19];
	s12 =	sand.u32 $0x7FFFFC00, s20;
	s23 =	spop (v2sf)  }
0x80: {  	s22 =	rddreg [dreg:$0x18];
	s21 =	sadd.s32 s8, s12;
	s12 =	sand.u32 $0x7FFFFC00, s23  }
0x81: {  	(v2sf) =	vpush v0, $0x9;
	s26 =	spop (v2sf);
	s9 =	sshrl.u32 s21, $0x3;
	s25 =	sadd.s32 s8, s12  }
0x82: {  	s12 =	sand.u32 $0x7FFFFC00, s26;
	s9 =	sadd.s32 s3, s9;
	s10 =	sshrl.u32 s25, $0x3  }
0x83: {  	[tilespmem:s22], [sflag:$0x1] =	stream.linear.gather [hbm4b:s9+s2], $0x400, $0x38;
	[tilespmem:$0x8100] =	vst v63  }
0x84: {  	s30 =	spop (v2sf);
	s29 =	sadd.s32 s8, s12;
	s10 =	sadd.s32 s3, s10  }
0x85: {  	[tilespmem:s24], [sflag:$0x1] =	stream.linear.gather [hbm4b:s10+s2], $0x400, $0x38;
	[tilespmem:$0x8100] =	vst v63  }
0x86: {  	(v2sf) =	vpush v0, $0xA;
	s12 =	sand.u32 $0x7FFFFC00, s30;
	s10 =	sshrl.u32 s29, $0x3  }
0x87: {  	s28 =	rddreg [dreg:$0x1a];
	s12 =	sadd.s32 s8, s12;
	s10 =	sadd.s32 s3, s10  }
0x88: {  	[tilespmem:s28], [sflag:$0x1] =	stream.linear.gather [hbm4b:s10+s2], $0x400, $0x38;
	[tilespmem:$0x8100] =	vst v63  }
0x89: {  	s10 =	sshrl.u32 s12, $0x3  }
0x8a: {  	s31 =	rddreg [dreg:$0x1b];
	s10 =	sadd.s32 s3, s10  }
0x8b: {  	[tilespmem:s31], [sflag:$0x1] =	stream.linear.gather [hbm4b:s10+s2], $0x400, $0x38;
	[tilespmem:$0x8100] =	vst v63  }
0x8c: {  	s13 =	spop (v2sf)  }
0x8d: {  	s9 =	sadd.s32 $0x24A800, s5;
	(v2sf) =	vpush v0, $0xB;
	s14 =	sand.u32 $0x7FFFFC00, s13  }
0x8e: {  	s10 =	sadd.s32 s9, s14  }
0x8f: {  	s10 =	sshrl.u32 s10, $0x3  }
0x90: {  	s15 =	rddreg [dreg:$0x1c];
	s16 =	spop (v2sf);
	s10 =	sadd.s32 s3, s10  }
0x91: {  	(v2sf) =	vpush v0, $0xC;
	[tilespmem:s15], [sflag:$0x1] =	stream.linear.gather [hbm4b:s10+s2], $0x400, $0x38;
	[tilespmem:$0x8100] =	vst v63  }
0x92: {  	s10 =	sand.u32 $0x7FFFFC00, s16  }
0x93: {  	s10 =	sadd.s32 s9, s10  }
0x94: {  	s10 =	sshrl.u32 s10, $0x3  }
0x95: {  	s17 =	rddreg [dreg:$0x1d];
	s18 =	spop (v2sf);
	s10 =	sadd.s32 s3, s10  }
0x96: {  	(v2sf) =	vpush v0, $0xD;
	[tilespmem:s17], [sflag:$0x1] =	stream.linear.gather [hbm4b:s10+s2], $0x400, $0x38;
	[tilespmem:$0x8100] =	vst v63  }
0x97: {  	s10 =	sand.u32 $0x7FFFFC00, s18  }
0x98: {  	s10 =	sadd.s32 s9, s10  }
0x99: {  	s10 =	sshrl.u32 s10, $0x3  }
0x9a: {  	s19 =	rddreg [dreg:$0x1e];
	s10 =	sadd.s32 s3, s10  }
0x9b: {  	[tilespmem:s19], [sflag:$0x1] =	stream.linear.gather [hbm4b:s10+s2], $0x400, $0x38;
	[tilespmem:$0x8100] =	vst v63  }
0x9c: {  	s20 =	spop (v2sf)  }
0x9d: {  	(v2sf) =	vpush v0, $0xE;
	s10 =	sand.u32 $0x7FFFFC00, s20  }
0x9e: {  	s10 =	sadd.s32 s9, s10  }
0x9f: {  	s10 =	sshrl.u32 s10, $0x3  }
0xa0: {  	s21 =	rddreg [dreg:$0x1f];
	s22 =	spop (v2sf);
	s10 =	sadd.s32 s3, s10  }
0xa1: {  	(v2sf) =	vpush v0, $0xF;
	[tilespmem:s21], [sflag:$0x1] =	stream.linear.gather [hbm4b:s10+s2], $0x400, $0x38;
	[tilespmem:$0x8100] =	vst v63  }
0xa2: {  	s10 =	sand.u32 $0x7FFFFC00, s22  }
0xa3: {  	s23 =	sld [smem:$0x7FA];
	s10 =	sadd.s32 s9, s10  }
0xa4: {  	s10 =	sshrl.u32 s10, $0x3  }
0xa5: {  	s24 =	spop (v2sf);
	s10 =	sadd.s32 s3, s10  }
0xa6: {  	[tilespmem:s23], [sflag:$0x1] =	stream.linear.gather [hbm4b:s10+s2], $0x400, $0x38;
	[tilespmem:$0x8100] =	vst v63  }
0xa7: {  	s10 =	sand.u32 $0x7FFFFC00, s24  }
0xa8: {  	s25 =	sld [smem:$0x7FB];
	s10 =	sadd.s32 s9, s10  }
0xa9: {  	s10 =	sshrl.u32 s10, $0x3  }
0xaa: {  	s10 =	sadd.s32 s3, s10  }
0xab: {  	[tilespmem:s25], [sflag:$0x1] =	stream.linear.gather [hbm4b:s10+s2], $0x400, $0x38;
	[tilespmem:$0x8100] =	vst v63  }
0xac: {  	s26 =	spop (v2sf)  }
0xad: {  	s10 =	sand.u32 $0x7FFFFC00, s26  }
0xae: {  	s28 =	sld [smem:$0x7FC];
	s10 =	sadd.s32 s9, s10  }
0xaf: {  	s10 =	sshrl.u32 s10, $0x3  }
0xb0: {  	s29 =	spop (v2sf);
	s10 =	sadd.s32 s3, s10  }
0xb1: {  	[tilespmem:s28], [sflag:$0x1] =	stream.linear.gather [hbm4b:s10+s2], $0x400, $0x38;
	[tilespmem:$0x8100] =	vst v63  }
0xb2: {  	s10 =	sand.u32 $0x7FFFFC00, s29  }
0xb3: {  	s30 =	sld [smem:$0x7FD];
	s10 =	sadd.s32 s9, s10  }
0xb4: {  	s10 =	sshrl.u32 s10, $0x3  }
0xb5: {  	s10 =	sadd.s32 s3, s10  }
0xb6: {  	[tilespmem:s30], [sflag:$0x1] =	stream.linear.gather [hbm4b:s10+s2], $0x400, $0x38;
	[tilespmem:$0x8100] =	vst v63  }
0xb7: {  	s10 =	simm.s32 $0x1  }
0xb8: {  	_ =	swait.ge [sflag:s10], $0x400  }
0xb9: {  	[sflag:s10] =	ssyncset.done $0x0  }
0xba: {  	[sflag:s10] =	ssyncadd.s32 $0xFFFFFC00  }
0xbb: {  	_ =	swait.ge [sflag:s10], $0x400  }
0xbc: {  	[sflag:s10] =	ssyncset.done $0x0  }
0xbd: {  	[sflag:s10] =	ssyncadd.s32 $0xFFFFFC00  }
0xbe: {  	_ =	swait.ge [sflag:s10], $0x400  }
0xbf: {  	[sflag:s10] =	ssyncset.done $0x0  }
0xc0: {  	[sflag:s10] =	ssyncadd.s32 $0xFFFFFC00  }
0xc1: {  	_ =	swait.ge [sflag:s10], $0x400  }
0xc2: {  	[sflag:s10] =	ssyncset.done $0x0  }
0xc3: {  	[sflag:s10] =	ssyncadd.s32 $0xFFFFFC00  }
0xc4: {  	_ =	swait.ge [sflag:s10], $0x400  }
0xc5: {  	[sflag:s10] =	ssyncset.done $0x0  }
0xc6: {  	[sflag:s10] =	ssyncadd.s32 $0xFFFFFC00  }
0xc7: {  	_ =	swait.ge [sflag:s10], $0x400  }
0xc8: {  	[sflag:s10] =	ssyncset.done $0x0  }
0xc9: {  	[sflag:s10] =	ssyncadd.s32 $0xFFFFFC00  }
0xca: {  	_ =	swait.ge [sflag:s10], $0x400  }
0xcb: {  	[sflag:s10] =	ssyncset.done $0x0  }
0xcc: {  	[sflag:s10] =	ssyncadd.s32 $0xFFFFFC00  }
0xcd: {  	_ =	swait.ge [sflag:s10], $0x400  }
0xce: {  	[sflag:s10] =	ssyncset.done $0x0  }
0xcf: {  	[sflag:s10] =	ssyncadd.s32 $0xFFFFFC00  }
0xd0: {  	_ =	swait.ge [sflag:s10], $0x400  }
0xd1: {  	[sflag:s10] =	ssyncset.done $0x0  }
0xd2: {  	[sflag:s10] =	ssyncadd.s32 $0xFFFFFC00  }
0xd3: {  	_ =	swait.ge [sflag:s10], $0x400  }
0xd4: {  	[sflag:s10] =	ssyncset.done $0x0  }
0xd5: {  	[sflag:s10] =	ssyncadd.s32 $0xFFFFFC00  }
0xd6: {  	_ =	swait.ge [sflag:s10], $0x400  }
0xd7: {  	[sflag:s10] =	ssyncset.done $0x0  }
0xd8: {  	[sflag:s10] =	ssyncadd.s32 $0xFFFFFC00  }
0xd9: {  	_ =	swait.ge [sflag:s10], $0x400  }
0xda: {  	[sflag:s10] =	ssyncset.done $0x0  }
0xdb: {  	[sflag:s10] =	ssyncadd.s32 $0xFFFFFC00  }
0xdc: {  	_ =	swait.ge [sflag:s10], $0x400  }
0xdd: {  	[sflag:s10] =	ssyncset.done $0x0  }
0xde: {  	[sflag:s10] =	ssyncadd.s32 $0xFFFFFC00  }
0xdf: {  	_ =	swait.ge [sflag:s10], $0x400  }
0xe0: {  	[sflag:s10] =	ssyncset.done $0x0  }
0xe1: {  	[sflag:s10] =	ssyncadd.s32 $0xFFFFFC00  }
0xe2: {  	_ =	swait.ge [sflag:s10], $0x400  }
0xe3: {  	[sflag:s10] =	ssyncset.done $0x0  }
0xe4: {  	[sflag:s10] =	ssyncadd.s32 $0xFFFFFC00  }
0xe5: {  	_ =	swait.ge [sflag:s10], $0x400  }
0xe6: {  	[sflag:s10] =	ssyncset.done $0x0  }
0xe7: {  	[sflag:s10] =	ssyncadd.s32 $0xFFFFFC00  }
0xe8: {  	_ =	swait.ge [sflag:s10], $0x400  }
0xe9: {  	[sflag:s10] =	ssyncset.done $0x0  }
0xea: {  	[sflag:s10] =	ssyncadd.s32 $0xFFFFFC00  }
0xeb: {  	_ =	swait.ge [sflag:s10], $0x400  }
0xec: {  	[sflag:s10] =	ssyncset.done $0x0  }
0xed: {  	[sflag:s10] =	ssyncadd.s32 $0xFFFFFC00  }
0xee: {  	_ =	swait.ge [sflag:s10], $0x400  }
0xef: {  	[sflag:s10] =	ssyncset.done $0x0  }
0xf0: {  	[sflag:s10] =	ssyncadd.s32 $0xFFFFFC00  }
0xf1: {  	_ =	swait.ge [sflag:s10], $0x400  }
0xf2: {  	[sflag:s10] =	ssyncset.done $0x0  }
0xf3: {  	[sflag:s10] =	ssyncadd.s32 $0xFFFFFC00  }
0xf4: {  	_ =	swait.ge [sflag:s10], $0x400  }
0xf5: {  	[sflag:s10] =	ssyncset.done $0x0  }
0xf6: {  	[sflag:s10] =	ssyncadd.s32 $0xFFFFFC00  }
0xf7: {  	_ =	swait.ge [sflag:s10], $0x400  }
0xf8: {  	[sflag:s10] =	ssyncset.done $0x0  }
0xf9: {  	[sflag:s10] =	ssyncadd.s32 $0xFFFFFC00  }
0xfa: {  	_ =	swait.ge [sflag:s10], $0x400  }
0xfb: {  	[sflag:s10] =	ssyncset.done $0x0  }
0xfc: {  	[sflag:s10] =	ssyncadd.s32 $0xFFFFFC00  }
0xfd: {  	_ =	swait.ge [sflag:s10], $0x400  }
0xfe: {  	[sflag:s10] =	ssyncset.done $0x0  }
0xff: {  	[sflag:s10] =	ssyncadd.s32 $0xFFFFFC00  }
0x100: {  	_ =	swait.ge [sflag:s10], $0x400  }
0x101: {  	[sflag:s10] =	ssyncset.done $0x0  }
0x102: {  	[sflag:s10] =	ssyncadd.s32 $0xFFFFFC00  }
0x103: {  	_ =	swait.ge [sflag:s10], $0x400  }
0x104: {  	[sflag:s10] =	ssyncset.done $0x0  }
0x105: {  	[sflag:s10] =	ssyncadd.s32 $0xFFFFFC00  }
0x106: {  	_ =	swait.ge [sflag:s10], $0x400  }
0x107: {  	[sflag:s10] =	ssyncset.done $0x0  }
0x108: {  	[sflag:s10] =	ssyncadd.s32 $0xFFFFFC00  }
0x109: {  	_ =	swait.ge [sflag:s10], $0x400  }
0x10a: {  	[sflag:s10] =	ssyncset.done $0x0  }
0x10b: {  	[sflag:s10] =	ssyncadd.s32 $0xFFFFFC00  }
0x10c: {  	_ =	swait.ge [sflag:s10], $0x400  }
0x10d: {  	[sflag:s10] =	ssyncset.done $0x0  }
0x10e: {  	vm0 =	vcmask $0x300;
	v0 =	vimm.s32 $0x3F80;
	[sflag:s10] =	ssyncadd.s32 $0xFFFFFC00  }
0x10f: {  	vm1 =	vcmask $0x704;
	v0 =	vsel vm0, $0x0, v0;
	_ =	swait.ge [sflag:s10], $0x400  }
0x110: {  	vm2 =	vcmask $0xB08;
	v1 =	vimm.s32 $0x7F80;
	v0 =	vsel vm1, $0x480, v0;
	[sflag:s10] =	ssyncset.done $0x0  }
0x111: {  	vm3 =	vcmask $0xF0C;
	v1 =	vsel vm0, $0x4000, v1;
	v0 =	vsel vm2, $0x900, v0;
	[sflag:s10] =	ssyncadd.s32 $0xFFFFFC00  }
0x112: {  	vm15 =	vcmask $0x1310;
	v1 =	vsel vm1, $0x4480, v1;
	v0 =	vsel vm3, $0xD80, v0;
	_ =	swait.ge [sflag:s10], $0x400  }
0x113: {  	vm6 =	vcmask $0x1714;
	v1 =	vsel vm2, $0x4900, v1;
	v0 =	vsel vm15, $0x1200, v0;
	[sflag:s10] =	ssyncset.done $0x0  }
0x114: {  	vm7 =	vcmask $0x1B18;
	v1 =	vsel vm3, $0x4D80, v1;
	v0 =	vsel vm6, $0x1680, v0;
	[sflag:s10] =	ssyncadd.s32 $0xFFFFFC00  }
0x115: {  	vm8 =	vcmask $0x1F1C;
	v1 =	vsel vm15, $0x5200, v1;
	v0 =	vsel vm7, $0x1B00, v0;
	_ =	swait.ge [sflag:s10], $0x400  }
0x116: {  	vm9 =	vcmask $0x2320;
	v1 =	vsel vm6, $0x5680, v1;
	v0 =	vsel vm8, $0x1F80, v0;
	[sflag:s10] =	ssyncset.done $0x0  }
0x117: {  	vm10 =	vcmask $0x2724;
	v1 =	vsel vm7, $0x5B00, v1;
	v0 =	vsel vm9, $0x2000, v0;
	[sflag:s10] =	ssyncadd.s32 $0xFFFFFC00  }
0x118: {  	vm11 =	vcmask $0x2B28;
	v1 =	vsel vm8, $0x5F80, v1;
	v0 =	vsel vm10, $0x2480, v0;
	v2 =	vld [tilespmem:$0x0]  }
0x119: {  	vm12 =	vcmask $0x2F2C;
	v1 =	vsel vm9, $0x6000, v1;
	v0 =	vsel vm11, $0x2900, v0  }
0x11a: {  	vm13 =	vcmask $0x3330;
	v1 =	vsel vm10, $0x6480, v1;
	v0 =	vsel vm12, $0x2D80, v0;
	v3 =	vld [tilespmem:$0x10]  }
0x11b: {  	vm14 =	vcmask $0x3734;
	v1 =	vsel vm11, $0x6900, v1;
	v0 =	vsel vm13, $0x3200, v0  }
0x11c: {  	v1 =	vsel vm12, $0x6D80, v1;
	vm15 =	vcmask $0x3B38;
	v0 =	vsel vm14, $0x3680, v0  }
0x11d: {  	v1 =	vsel vm13, $0x7200, v1;
	v0 =	vsel vm15, $0x3B00, v0;
	v2 =	vand.u32 $0x7F, v2  }
0x11e: {  	v1 =	vsel vm14, $0x7680, v1;
	v2 =	vor.u32 v0, v2  }
0x11f: {  	v1 =	vsel vm15, $0x7B00, v1;
	v3 =	vand.u32 $0x7F, v3  }
0x120: {  	v3 =	vor.u32 v1, v3;
	_ =	sdelay $0x2  }
0x121: {  	v2 =	vld.idx.msk [tilespmem:v2+s7+$0x0], $0xffff;
	_ =	sdelay $0x1  }
0x122: {  	v3 =	vld.idx.msk [tilespmem:v3+s7+$0x0], $0xffff;
	_ =	sdelay $0x2  }
0x123: {  	v4 =	vand.u32 $0x7FFFFF, v2  }
0x124: {  	v4 =	vor.u32 $0x3F800000, v4  }
0x125: {  	v5 =	vand.u32 $0x7FFFFF, v3;
	v6 =	vadd.f32 $1.000000000e+00, v4  }
0x126: {  	v5 =	vor.u32 $0x3F800000, v5  }
0x127: {  	v7 =	vadd.f32 $1.000000000e+00, v5;
	(erf) = vrcp.f32 v6;
	_ =	sdelay $0x1  }
0x128: {  	(erf) = vrcp.f32 v7;
	_ =	sdelay $0x4  }
0x129: {  	v4 =	vadd.f32 $-1.000000000e+00, v4;
	_ =	sdelay $0x1  }
0x12a: {  	v6 =	vpop (erf)  }
0x12b: {  	v5 =	vadd.f32 $-1.000000000e+00, v5;
	v6 =	vmul.f32 v6, v4  }
0x12c: {  	v4 =	vpop (erf)  }
0x12d: {  	v5 =	vmul.f32 v4, v5;
	v9 =	vmul.f32 v6, v6  }
0x12e: {  	s11 =	ssub.s32 $0x2, s11  }
0x12f: {  	s31 =	sshrl.u32 s11, $0x1;
	v8 =	vmul.f32 v5, v5;
	v4 =	vmul.f32 $1.111111120e-01, v9  }
0x130: {  	s11 =	ssub.s32 s11, s31  }
0x131: {  	s11 =	smax.u32 s11, $0x1;
	v7 =	vmul.f32 $1.111111120e-01, v8;
	v4 =	vadd.f32 $1.428571490e-01, v4  }
0x132: {  	p0 =	sne.s32 s11, $0x1;
	v10 =	vshrl.u32 v2, $0x17  }
.Ltmp0:
0x133: {  	v11 =	vshrl.u32 v3, $0x17;
	v7 =	vadd.f32 $1.428571490e-01, v7;
	v4 =	vmul.f32 v4, v9;
	(pc) =	sbr.rel @!p0 .LBB2_2-.Ltmp0, $4  }
0x134: {  	v11 =	vand.u32 $0xFF, v11;
	v10 =	vand.u32 $0xFF, v10  }
0x135: {  	v11 =	vadd.s32 $0xFFFFFF81, v11;
	v12 =	vmul.f32 v7, v8;
	v13 =	vadd.f32 $2.000000030e-01, v4  }
0x136: {  	v7 =	vadd.s32 $0xFFFFFF81, v10;
	v4 =	vcvt.s32.f32 v11  }
0x137: {  	s11 =	sadd.s32 $0xFFFFFFFF, s11;
	v7 =	vcvt.s32.f32 v7;
	v10 =	vadd.f32 $2.000000030e-01, v12;
	v11 =	vmul.f32 v13, v9  }
.LBB2_1:
0x138: {  	_ = 	snop  }
0x139: {  	v10 =	vmul.f32 v10, v8;
	_ =	sdelay $0x1  }
0x13a: {  	v11 =	vadd.f32 $3.333333430e-01, v11;
	v10 =	vadd.f32 $3.333333430e-01, v10;
	_ =	sdelay $0x1  }
0x13b: {  	v9 =	vmul.f32 v11, v9;
	v8 =	vmul.f32 v10, v8  }
0x13c: {  	v6 =	vadd.f32 v6, v6;
	v5 =	vadd.f32 v5, v5  }
0x13d: {  	v9 =	vadd.f32 $1.000000000e+00, v9;
	v8 =	vadd.f32 $1.000000000e+00, v8  }
0x13e: {  	v4 =	vmul.f32 $6.931471820e-01, v4;
	v7 =	vmul.f32 $6.931471820e-01, v7  }
0x13f: {  	v6 =	vmul.f32 v9, v6;
	v5 =	vmul.f32 v8, v5;
	_ =	sdelay $0x1  }
0x140: {  	v6 =	vadd.f32 v6, v7;
	v4 =	vadd.f32 v5, v4;
	_ =	sdelay $0x1  }
0x141: {  	vm0 =	veq.f32 v2, $0.0e+00;
	v5 =	vsub.f32 $0.0e+00, v6;
	v2 =	vsub.f32 $0.0e+00, v4  }
0x142: {  	vm1 =	veq.f32 v3, $0.0e+00  }
0x143: {  	v3 =	vsel vm0, $0x7F800000, v5;
	v2 =	vsel vm1, $0x7F800000, v2  }
0x144: {  	s12 =	sld [smem:$0x7F9];
	v2 =	vadd.f32 v2, v3;
	_ =	sdelay $0x1  }
0x145: {  	s13 =	rddreg [dreg:$0x4];
	[tilespmem:$0x8080] =	vst v2  }
0x146: {  	[hbm4b:s13+s2] =	stream.linear.scatter [tilespmem:s12], [sflag:$0x2], $0x80, $0x38;
	[tilespmem:$0x8100] =	vst v63  }
0x147: {  	_ =	swait.ge [sflag:s4], $0x80  }
0x148: {  	[sflag:s4] =	ssyncset.done $0x0  }
0x149: {  	s29 =	rddreg [dreg:$0x3];
	[sflag:s4] =	ssyncadd.s32 $0xFFFFFF80  }
0x14a: {  	[tilespmem:s2], [sflag:$0x2] =	stream.linear.gather [hbm4b:s29+s2], $0x20, $0x38;
	[tilespmem:$0x8100] =	vst v63  }
0x14b: {  	_ =	swait.ge [sflag:s4], $0x20  }
0x14c: {  	[sflag:s4] =	ssyncset.done $0x0  }
0x14d: {  	[sflag:s4] =	ssyncadd.s32 $0xFFFFFFE0  }
0x14e: {  	v2 =	vld [tilespmem:$0x0];
	_ =	sdelay $0x4  }
0x14f: {  	v2 =	vshll.u32 v2, $0x3  }
0x150: {  	(v2sf) =	vpush v2, $0x0  }
0x151: {  	(v2sf) =	vpush v2, $0x1  }
0x152: {  	(v2sf) =	vpush v2, $0x2;
	_ =	sdelay $0x3  }
0x153: {  	(v2sf) =	vpush v2, $0x3;
	_ =	sdelay $0x2  }
0x154: {  	(v2sf) =	vpush v2, $0x4;
	_ =	sdelay $0x1  }
0x155: {  	(v2sf) =	vpush v2, $0x5  }
0x156: {  	s16 =	rddreg [dreg:$0xe];
	(v2sf) =	vpush v2, $0x6  }
0x157: {  	s17 =	rddreg [dreg:$0xd]  }
0x158: {  	s18 =	rddreg [dreg:$0xc]  }
0x159: {  	s22 =	rddreg [dreg:$0x8];
	s25 =	spop (v2sf)  }
0x15a: {  	s26 =	rddreg [dreg:$0x5];
	s25 =	sand.u32 $0x7FFFFC00, s25;
	s28 =	spop (v2sf)  }
0x15b: {  	s25 =	sadd.s32 s5, s25;
	s28 =	sand.u32 $0x7FFFFC00, s28;
	s29 =	spop (v2sf)  }
0x15c: {  	s25 =	sshrl.u32 s25, $0x3;
	s28 =	sadd.s32 s5, s28;
	s29 =	sand.u32 $0x7FFFFC00, s29  }
0x15d: {  	(v2sf) =	vpush v2, $0x7;
	s25 =	sadd.s32 s3, s25;
	s28 =	sshrl.u32 s28, $0x3;
	s29 =	sadd.s32 s5, s29  }
0x15e: {  	(v2sf) =	vpush v2, $0x8;
	[tilespmem:s7], [sflag:$0x1] =	stream.linear.gather [hbm4b:s25+s2], $0x400, $0x38;
	[tilespmem:$0x8100] =	vst v63  }
0x15f: {  	s31 =	spop (v2sf);
	s25 =	sadd.s32 s3, s28;
	s30 =	sshrl.u32 s29, $0x3  }
0x160: {  	[tilespmem:s26], [sflag:$0x1] =	stream.linear.gather [hbm4b:s25+s2], $0x400, $0x38;
	[tilespmem:$0x8100] =	vst v63  }
0x161: {  	s23 =	rddreg [dreg:$0x7];
	(v2sf) =	vpush v2, $0x9;
	s26 =	sadd.s32 s3, s30;
	s30 =	sand.u32 $0x7FFFFC00, s31  }
0x162: {  	s24 =	rddreg [dreg:$0x6];
	s31 =	spop (v2sf);
	s29 =	sadd.s32 s5, s30  }
0x163: {  	[tilespmem:s24], [sflag:$0x1] =	stream.linear.gather [hbm4b:s26+s2], $0x400, $0x38;
	[tilespmem:$0x8100] =	vst v63  }
0x164: {  	(v2sf) =	vpush v2, $0xA;
	s30 =	sand.u32 $0x7FFFFC00, s31;
	s31 =	spop (v2sf);
	s24 =	sshrl.u32 s29, $0x3  }
0x165: {  	s25 =	sadd.s32 s5, s30;
	s26 =	sand.u32 $0x7FFFFC00, s31;
	s28 =	spop (v2sf)  }
0x166: {  	(v2sf) =	vpush v2, $0xB;
	s24 =	sadd.s32 s3, s24;
	s25 =	sshrl.u32 s25, $0x3;
	s26 =	sadd.s32 s5, s26  }
0x167: {  	[tilespmem:s23], [sflag:$0x1] =	stream.linear.gather [hbm4b:s24+s2], $0x400, $0x38;
	[tilespmem:$0x8100] =	vst v63  }
0x168: {  	(v2sf) =	vpush v2, $0xC;
	s30 =	sand.u32 $0x7FFFFC00, s28;
	s25 =	sadd.s32 s3, s25;
	s26 =	sshrl.u32 s26, $0x3  }
0x169: {  	[tilespmem:s22], [sflag:$0x1] =	stream.linear.gather [hbm4b:s25+s2], $0x400, $0x38;
	[tilespmem:$0x8100] =	vst v63  }
0x16a: {  	s21 =	rddreg [dreg:$0x9];
	s29 =	sadd.s32 s3, s26;
	s22 =	sadd.s32 s5, s30  }
0x16b: {  	[tilespmem:s21], [sflag:$0x1] =	stream.linear.gather [hbm4b:s29+s2], $0x400, $0x38;
	[tilespmem:$0x8100] =	vst v63  }
0x16c: {  	s20 =	rddreg [dreg:$0xa];
	s21 =	sshrl.u32 s22, $0x3;
	s31 =	spop (v2sf)  }
0x16d: {  	s21 =	sadd.s32 s3, s21;
	s23 =	sand.u32 $0x7FFFFC00, s31;
	s24 =	spop (v2sf)  }
0x16e: {  	[tilespmem:s20], [sflag:$0x1] =	stream.linear.gather [hbm4b:s21+s2], $0x400, $0x38;
	[tilespmem:$0x8100] =	vst v63  }
0x16f: {  	s19 =	rddreg [dreg:$0xb];
	(v2sf) =	vpush v2, $0xD;
	s22 =	sadd.s32 s5, s23;
	s23 =	sand.u32 $0x7FFFFC00, s24  }
0x170: {  	s28 =	spop (v2sf);
	s22 =	sshrl.u32 s22, $0x3;
	s23 =	sadd.s32 s6, s23  }
0x171: {  	(v2sf) =	vpush v2, $0xE;
	s30 =	sand.u32 $0x7FFFFC00, s28;
	s25 =	sadd.s32 s3, s22;
	s26 =	sshrl.u32 s23, $0x3  }
0x172: {  	[tilespmem:s19], [sflag:$0x1] =	stream.linear.gather [hbm4b:s25+s2], $0x400, $0x38;
	[tilespmem:$0x8100] =	vst v63  }
0x173: {  	(v2sf) =	vpush v2, $0xF;
	s22 =	sadd.s32 s6, s30;
	s29 =	sadd.s32 s3, s26;
	s31 =	spop (v2sf)  }
0x174: {  	[tilespmem:s18], [sflag:$0x1] =	stream.linear.gather [hbm4b:s29+s2], $0x400, $0x38;
	[tilespmem:$0x8100] =	vst v63  }
0x175: {  	s23 =	sand.u32 $0x7FFFFC00, s31;
	s24 =	spop (v2sf);
	s18 =	sshrl.u32 s22, $0x3  }
0x176: {  	s19 =	sadd.s32 s6, s23;
	s20 =	sand.u32 $0x7FFFFC00, s24;
	s18 =	sadd.s32 s3, s18  }
0x177: {  	s28 =	spop (v2sf);
	s19 =	sshrl.u32 s19, $0x3;
	s20 =	sadd.s32 s6, s20  }
0x178: {  	[tilespmem:s17], [sflag:$0x1] =	stream.linear.gather [hbm4b:s18+s2], $0x400, $0x38;
	[tilespmem:$0x8100] =	vst v63  }
0x179: {  	s30 =	sand.u32 $0x7FFFFC00, s28;
	s25 =	sadd.s32 s3, s19;
	s26 =	sshrl.u32 s20, $0x3  }
0x17a: {  	[tilespmem:s16], [sflag:$0x1] =	stream.linear.gather [hbm4b:s25+s2], $0x400, $0x38;
	[tilespmem:$0x8100] =	vst v63  }
0x17b: {  	s15 =	rddreg [dreg:$0xf];
	s17 =	sadd.s32 s6, s30;
	s29 =	sadd.s32 s3, s26  }
0x17c: {  	[tilespmem:s15], [sflag:$0x1] =	stream.linear.gather [hbm4b:s29+s2], $0x400, $0x38;
	[tilespmem:$0x8100] =	vst v63  }
0x17d: {  	s15 =	sshrl.u32 s17, $0x3  }
0x17e: {  	s14 =	rddreg [dreg:$0x10];
	s15 =	sadd.s32 s3, s15;
	s31 =	spop (v2sf)  }
0x17f: {  	[tilespmem:s14], [sflag:$0x1] =	stream.linear.gather [hbm4b:s15+s2], $0x400, $0x38;
	[tilespmem:$0x8100] =	vst v63  }
0x180: {  	s18 =	sand.u32 $0x7FFFFC00, s31;
	s19 =	spop (v2sf)  }
0x181: {  	s13 =	rddreg [dreg:$0x11];
	s16 =	sadd.s32 s6, s18;
	s17 =	sand.u32 $0x7FFFFC00, s19  }
0x182: {  	s22 =	spop (v2sf);
	s16 =	sshrl.u32 s16, $0x3;
	s17 =	sadd.s32 s6, s17  }
0x183: {  	s24 =	sand.u32 $0x7FFFFC00, s22;
	s20 =	sadd.s32 s3, s16;
	s21 =	sshrl.u32 s17, $0x3  }
0x184: {  	[tilespmem:s13], [sflag:$0x1] =	stream.linear.gather [hbm4b:s20+s2], $0x400, $0x38;
	[tilespmem:$0x8100] =	vst v63  }
0x185: {  	s12 =	rddreg [dreg:$0x12];
	s25 =	sadd.s32 s6, s24;
	s23 =	sadd.s32 s3, s21  }
0x186: {  	[tilespmem:s12], [sflag:$0x1] =	stream.linear.gather [hbm4b:s23+s2], $0x400, $0x38;
	[tilespmem:$0x8100] =	vst v63  }
0x187: {  	s12 =	sshrl.u32 s25, $0x3  }
0x188: {  	s26 =	rddreg [dreg:$0x13];
	s12 =	sadd.s32 s3, s12  }
0x189: {  	[tilespmem:s26], [sflag:$0x1] =	stream.linear.gather [hbm4b:s12+s2], $0x400, $0x38;
	[tilespmem:$0x8100] =	vst v63  }
0x18a: {  	v2 =	vld [tilespmem:$0x10];
	_ =	sdelay $0x4  }
0x18b: {  	v2 =	vshll.u32 v2, $0x3  }
0x18c: {  	(v2sf) =	vpush v2, $0x3  }
0x18d: {  	(v2sf) =	vpush v2, $0x2  }
0x18e: {  	(v2sf) =	vpush v2, $0x0  }
0x18f: {  	(v2sf) =	vpush v2, $0x1;
	_ =	sdelay $0x4  }
0x190: {  	s14 =	sld [smem:$0x7FA];
	(v2sf) =	vpush v2, $0x4  }
0x191: {  	s18 =	rddreg [dreg:$0x1c]  }
0x192: {  	s19 =	rddreg [dreg:$0x1b];
	(v2sf) =	vpush v2, $0x5  }
0x193: {  	s22 =	rddreg [dreg:$0x17]  }
0x194: {  	s16 =	rddreg [dreg:$0x1e]  }
0x195: {  	s17 =	rddreg [dreg:$0x1d]  }
0x196: {  	s20 =	rddreg [dreg:$0x1a];
	(v2sf) =	vpush v2, $0x6  }
0x197: {  	s23 =	rddreg [dreg:$0x15];
	s28 =	spop (v2sf)  }
0x198: {  	s25 =	rddreg [dreg:$0x14];
	s29 =	spop (v2sf)  }
0x199: {  	s24 =	sand.u32 $0x7FFFFC00, s28;
	s26 =	sand.u32 $0x7FFFFC00, s29;
	s30 =	spop (v2sf)  }
0x19a: {  	(v2sf) =	vpush v2, $0x7;
	s24 =	sadd.s32 s8, s24;
	s28 =	sand.u32 $0x7FFFFC00, s30;
	s31 =	spop (v2sf)  }
0x19b: {  	s24 =	sshrl.u32 s24, $0x3;
	s28 =	sadd.s32 s8, s28;
	s29 =	sand.u32 $0x7FFFFC00, s31  }
0x19c: {  	s26 =	sadd.s32 s8, s26;
	(v2sf) =	vpush v2, $0x8;
	s28 =	sshrl.u32 s28, $0x3;
	s29 =	sadd.s32 s8, s29  }
0x19d: {  	s30 =	rddreg [dreg:$0x16];
	s28 =	sadd.s32 s3, s28;
	s29 =	sshrl.u32 s29, $0x3  }
0x19e: {  	(v2sf) =	vpush v2, $0x9;
	[tilespmem:s25], [sflag:$0x1] =	stream.linear.gather [hbm4b:s28+s2], $0x400, $0x38;
	[tilespmem:$0x8100] =	vst v63  }
0x19f: {  	s26 =	sshrl.u32 s26, $0x3;
	s31 =	spop (v2sf);
	s25 =	sadd.s32 s3, s29  }
0x1a0: {  	[tilespmem:s23], [sflag:$0x1] =	stream.linear.gather [hbm4b:s25+s2], $0x400, $0x38;
	[tilespmem:$0x8100] =	vst v63  }
0x1a1: {  	s25 =	sadd.s32 s3, s26;
	s26 =	sand.u32 $0x7FFFFC00, s31;
	s31 =	spop (v2sf)  }
0x1a2: {  	(v2sf) =	vpush v2, $0xA;
	[tilespmem:s30], [sflag:$0x1] =	stream.linear.gather [hbm4b:s25+s2], $0x400, $0x38;
	[tilespmem:$0x8100] =	vst v63  }
0x1a3: {  	s24 =	sadd.s32 s3, s24;
	s29 =	sadd.s32 s8, s26;
	s26 =	sand.u32 $0x7FFFFC00, s31  }
0x1a4: {  	(v2sf) =	vpush v2, $0xB;
	[tilespmem:s22], [sflag:$0x1] =	stream.linear.gather [hbm4b:s24+s2], $0x400, $0x38;
	[tilespmem:$0x8100] =	vst v63  }
0x1a5: {  	s28 =	spop (v2sf);
	(v2sf) =	vpush v2, $0xC;
	s30 =	rddreg [dreg:$0x18];
	s24 =	sshrl.u32 s29, $0x3  }
0x1a6: {  	s23 =	sadd.s32 s8, s26;
	s22 =	sadd.s32 s3, s24;
	s24 =	sand.u32 $0x7FFFFC00, s28  }
0x1a7: {  	[tilespmem:s30], [sflag:$0x1] =	stream.linear.gather [hbm4b:s22+s2], $0x400, $0x38;
	[tilespmem:$0x8100] =	vst v63  }
0x1a8: {  	s21 =	rddreg [dreg:$0x19];
	s29 =	sshrl.u32 s23, $0x3;
	s30 =	sadd.s32 s8, s24  }
0x1a9: {  	s22 =	sadd.s32 s3, s29;
	s23 =	sshrl.u32 s30, $0x3;
	s31 =	spop (v2sf)  }
0x1aa: {  	[tilespmem:s21], [sflag:$0x1] =	stream.linear.gather [hbm4b:s22+s2], $0x400, $0x38;
	[tilespmem:$0x8100] =	vst v63  }
0x1ab: {  	s25 =	sadd.s32 s3, s23;
	s24 =	sand.u32 $0x7FFFFC00, s31;
	s28 =	spop (v2sf)  }
0x1ac: {  	(v2sf) =	vpush v2, $0xD;
	[tilespmem:s20], [sflag:$0x1] =	stream.linear.gather [hbm4b:s25+s2], $0x400, $0x38;
	[tilespmem:$0x8100] =	vst v63  }
0x1ad: {  	s26 =	sadd.s32 s8, s24;
	s30 =	sand.u32 $0x7FFFFC00, s28;
	s31 =	spop (v2sf)  }
0x1ae: {  	(v2sf) =	vpush v2, $0xE;
	s29 =	sshrl.u32 s26, $0x3;
	s21 =	sadd.s32 s9, s30;
	s22 =	sand.u32 $0x7FFFFC00, s31  }
0x1af: {  	(v2sf) =	vpush v2, $0xF;
	s20 =	sadd.s32 s3, s29;
	s21 =	sshrl.u32 s21, $0x3;
	s23 =	sadd.s32 s9, s22  }
0x1b0: {  	[tilespmem:s19], [sflag:$0x1] =	stream.linear.gather [hbm4b:s20+s2], $0x400, $0x38;
	[tilespmem:$0x8100] =	vst v63  }
0x1b1: {  	s24 =	spop (v2sf);
	s19 =	sadd.s32 s3, s21;
	s20 =	sshrl.u32 s23, $0x3  }
0x1b2: {  	[tilespmem:s18], [sflag:$0x1] =	stream.linear.gather [hbm4b:s19+s2], $0x400, $0x38;
	[tilespmem:$0x8100] =	vst v63  }
0x1b3: {  	s21 =	sand.u32 $0x7FFFFC00, s24;
	s25 =	sadd.s32 s3, s20;
	s28 =	spop (v2sf)  }
0x1b4: {  	s26 =	sadd.s32 s9, s21;
	s30 =	sand.u32 $0x7FFFFC00, s28;
	s31 =	spop (v2sf)  }
0x1b5: {  	[tilespmem:s17], [sflag:$0x1] =	stream.linear.gather [hbm4b:s25+s2], $0x400, $0x38;
	[tilespmem:$0x8100] =	vst v63  }
0x1b6: {  	s29 =	sshrl.u32 s26, $0x3;
	s18 =	sadd.s32 s9, s30;
	s19 =	sand.u32 $0x7FFFFC00, s31  }
0x1b7: {  	s17 =	sadd.s32 s3, s29;
	s18 =	sshrl.u32 s18, $0x3;
	s19 =	sadd.s32 s9, s19  }
0x1b8: {  	[tilespmem:s16], [sflag:$0x1] =	stream.linear.gather [hbm4b:s17+s2], $0x400, $0x38;
	[tilespmem:$0x8100] =	vst v63  }
0x1b9: {  	s15 =	rddreg [dreg:$0x1f];
	s16 =	sadd.s32 s3, s18;
	s17 =	sshrl.u32 s19, $0x3  }
0x1ba: {  	[tilespmem:s15], [sflag:$0x1] =	stream.linear.gather [hbm4b:s16+s2], $0x400, $0x38;
	[tilespmem:$0x8100] =	vst v63  }
0x1bb: {  	s13 =	sld [smem:$0x7FB];
	s21 =	sadd.s32 s3, s17;
	s20 =	spop (v2sf)  }
0x1bc: {  	[tilespmem:s14], [sflag:$0x1] =	stream.linear.gather [hbm4b:s21+s2], $0x400, $0x38;
	[tilespmem:$0x8100] =	vst v63  }
0x1bd: {  	s12 =	sld [smem:$0x7FC];
	s18 =	sand.u32 $0x7FFFFC00, s20;
	s23 =	spop (v2sf)  }
0x1be: {  	s22 =	sadd.s32 s9, s18;
	s25 =	sand.u32 $0x7FFFFC00, s23;
	s26 =	spop (v2sf)  }
0x1bf: {  	s24 =	sshrl.u32 s22, $0x3;
	s15 =	sadd.s32 s9, s25;
	s16 =	sand.u32 $0x7FFFFC00, s26  }
0x1c0: {  	s14 =	sadd.s32 s3, s24;
	s28 =	sshrl.u32 s15, $0x3;
	s29 =	sadd.s32 s9, s16  }
0x1c1: {  	[tilespmem:s13], [sflag:$0x1] =	stream.linear.gather [hbm4b:s14+s2], $0x400, $0x38;
	[tilespmem:$0x8100] =	vst v63  }
0x1c2: {  	s30 =	sld [smem:$0x7FD];
	s13 =	sadd.s32 s3, s28;
	s14 =	sshrl.u32 s29, $0x3  }
0x1c3: {  	[tilespmem:s12], [sflag:$0x1] =	stream.linear.gather [hbm4b:s13+s2], $0x400, $0x38;
	[tilespmem:$0x8100] =	vst v63  }
0x1c4: {  	s31 =	sadd.s32 s3, s14  }
0x1c5: {  	[tilespmem:s30], [sflag:$0x1] =	stream.linear.gather [hbm4b:s31+s2], $0x400, $0x38;
	[tilespmem:$0x8100] =	vst v63  }
0x1c6: {  	_ =	swait.ge [sflag:s10], $0x400  }
0x1c7: {  	[sflag:s10] =	ssyncset.done $0x0  }
0x1c8: {  	[sflag:s10] =	ssyncadd.s32 $0xFFFFFC00  }
0x1c9: {  	_ =	swait.ge [sflag:s10], $0x400  }
0x1ca: {  	[sflag:s10] =	ssyncset.done $0x0  }
0x1cb: {  	[sflag:s10] =	ssyncadd.s32 $0xFFFFFC00  }
0x1cc: {  	_ =	swait.ge [sflag:s10], $0x400  }
0x1cd: {  	[sflag:s10] =	ssyncset.done $0x0  }
0x1ce: {  	[sflag:s10] =	ssyncadd.s32 $0xFFFFFC00  }
0x1cf: {  	_ =	swait.ge [sflag:s10], $0x400  }
0x1d0: {  	[sflag:s10] =	ssyncset.done $0x0  }
0x1d1: {  	[sflag:s10] =	ssyncadd.s32 $0xFFFFFC00  }
0x1d2: {  	_ =	swait.ge [sflag:s10], $0x400  }
0x1d3: {  	[sflag:s10] =	ssyncset.done $0x0  }
0x1d4: {  	[sflag:s10] =	ssyncadd.s32 $0xFFFFFC00  }
0x1d5: {  	_ =	swait.ge [sflag:s10], $0x400  }
0x1d6: {  	[sflag:s10] =	ssyncset.done $0x0  }
0x1d7: {  	[sflag:s10] =	ssyncadd.s32 $0xFFFFFC00  }
0x1d8: {  	_ =	swait.ge [sflag:s10], $0x400  }
0x1d9: {  	[sflag:s10] =	ssyncset.done $0x0  }
0x1da: {  	[sflag:s10] =	ssyncadd.s32 $0xFFFFFC00  }
0x1db: {  	_ =	swait.ge [sflag:s10], $0x400  }
0x1dc: {  	[sflag:s10] =	ssyncset.done $0x0  }
0x1dd: {  	[sflag:s10] =	ssyncadd.s32 $0xFFFFFC00  }
0x1de: {  	_ =	swait.ge [sflag:s10], $0x400  }
0x1df: {  	[sflag:s10] =	ssyncset.done $0x0  }
0x1e0: {  	[sflag:s10] =	ssyncadd.s32 $0xFFFFFC00  }
0x1e1: {  	_ =	swait.ge [sflag:s10], $0x400  }
0x1e2: {  	[sflag:s10] =	ssyncset.done $0x0  }
0x1e3: {  	[sflag:s10] =	ssyncadd.s32 $0xFFFFFC00  }
0x1e4: {  	_ =	swait.ge [sflag:s10], $0x400  }
0x1e5: {  	[sflag:s10] =	ssyncset.done $0x0  }
0x1e6: {  	[sflag:s10] =	ssyncadd.s32 $0xFFFFFC00  }
0x1e7: {  	_ =	swait.ge [sflag:s10], $0x400  }
0x1e8: {  	[sflag:s10] =	ssyncset.done $0x0  }
0x1e9: {  	[sflag:s10] =	ssyncadd.s32 $0xFFFFFC00  }
0x1ea: {  	_ =	swait.ge [sflag:s10], $0x400  }
0x1eb: {  	[sflag:s10] =	ssyncset.done $0x0  }
0x1ec: {  	[sflag:s10] =	ssyncadd.s32 $0xFFFFFC00  }
0x1ed: {  	_ =	swait.ge [sflag:s10], $0x400  }
0x1ee: {  	[sflag:s10] =	ssyncset.done $0x0  }
0x1ef: {  	[sflag:s10] =	ssyncadd.s32 $0xFFFFFC00  }
0x1f0: {  	_ =	swait.ge [sflag:s10], $0x400  }
0x1f1: {  	[sflag:s10] =	ssyncset.done $0x0  }
0x1f2: {  	[sflag:s10] =	ssyncadd.s32 $0xFFFFFC00  }
0x1f3: {  	_ =	swait.ge [sflag:s10], $0x400  }
0x1f4: {  	[sflag:s10] =	ssyncset.done $0x0  }
0x1f5: {  	[sflag:s10] =	ssyncadd.s32 $0xFFFFFC00  }
0x1f6: {  	_ =	swait.ge [sflag:s10], $0x400  }
0x1f7: {  	[sflag:s10] =	ssyncset.done $0x0  }
0x1f8: {  	[sflag:s10] =	ssyncadd.s32 $0xFFFFFC00  }
0x1f9: {  	_ =	swait.ge [sflag:s10], $0x400  }
0x1fa: {  	[sflag:s10] =	ssyncset.done $0x0  }
0x1fb: {  	[sflag:s10] =	ssyncadd.s32 $0xFFFFFC00  }
0x1fc: {  	_ =	swait.ge [sflag:s10], $0x400  }
0x1fd: {  	[sflag:s10] =	ssyncset.done $0x0  }
0x1fe: {  	[sflag:s10] =	ssyncadd.s32 $0xFFFFFC00  }
0x1ff: {  	_ =	swait.ge [sflag:s10], $0x400  }
0x200: {  	[sflag:s10] =	ssyncset.done $0x0  }
0x201: {  	[sflag:s10] =	ssyncadd.s32 $0xFFFFFC00  }
0x202: {  	_ =	swait.ge [sflag:s10], $0x400  }
0x203: {  	[sflag:s10] =	ssyncset.done $0x0  }
0x204: {  	[sflag:s10] =	ssyncadd.s32 $0xFFFFFC00  }
0x205: {  	_ =	swait.ge [sflag:s10], $0x400  }
0x206: {  	[sflag:s10] =	ssyncset.done $0x0  }
0x207: {  	[sflag:s10] =	ssyncadd.s32 $0xFFFFFC00  }
0x208: {  	_ =	swait.ge [sflag:s10], $0x400  }
0x209: {  	[sflag:s10] =	ssyncset.done $0x0  }
0x20a: {  	[sflag:s10] =	ssyncadd.s32 $0xFFFFFC00  }
0x20b: {  	_ =	swait.ge [sflag:s10], $0x400  }
0x20c: {  	[sflag:s10] =	ssyncset.done $0x0  }
0x20d: {  	[sflag:s10] =	ssyncadd.s32 $0xFFFFFC00  }
0x20e: {  	_ =	swait.ge [sflag:s10], $0x400  }
0x20f: {  	[sflag:s10] =	ssyncset.done $0x0  }
0x210: {  	[sflag:s10] =	ssyncadd.s32 $0xFFFFFC00  }
0x211: {  	_ =	swait.ge [sflag:s10], $0x400  }
0x212: {  	[sflag:s10] =	ssyncset.done $0x0  }
0x213: {  	[sflag:s10] =	ssyncadd.s32 $0xFFFFFC00  }
0x214: {  	_ =	swait.ge [sflag:s10], $0x400  }
0x215: {  	[sflag:s10] =	ssyncset.done $0x0  }
0x216: {  	[sflag:s10] =	ssyncadd.s32 $0xFFFFFC00  }
0x217: {  	_ =	swait.ge [sflag:s10], $0x400  }
0x218: {  	[sflag:s10] =	ssyncset.done $0x0  }
0x219: {  	[sflag:s10] =	ssyncadd.s32 $0xFFFFFC00  }
0x21a: {  	_ =	swait.ge [sflag:s10], $0x400  }
0x21b: {  	[sflag:s10] =	ssyncset.done $0x0  }
0x21c: {  	[sflag:s10] =	ssyncadd.s32 $0xFFFFFC00  }
0x21d: {  	_ =	swait.ge [sflag:s10], $0x400  }
0x21e: {  	[sflag:s10] =	ssyncset.done $0x0  }
0x21f: {  	[sflag:s10] =	ssyncadd.s32 $0xFFFFFC00  }
0x220: {  	_ =	swait.ge [sflag:s10], $0x400  }
0x221: {  	[sflag:s10] =	ssyncset.done $0x0  }
0x222: {  	[sflag:s10] =	ssyncadd.s32 $0xFFFFFC00  }
0x223: {  	_ =	swait.ge [sflag:s10], $0x400  }
0x224: {  	[sflag:s10] =	ssyncset.done $0x0  }
0x225: {  	[sflag:s10] =	ssyncadd.s32 $0xFFFFFC00  }
0x226: {  	v2 =	vld [tilespmem:$0x0];
	_ =	sdelay $0x1  }
0x227: {  	v3 =	vld [tilespmem:$0x10];
	_ =	sdelay $0x2  }
0x228: {  	v2 =	vand.u32 $0x7F, v2  }
0x229: {  	v2 =	vor.u32 v0, v2  }
0x22a: {  	v3 =	vand.u32 $0x7F, v3  }
0x22b: {  	v3 =	vor.u32 v1, v3;
	_ =	sdelay $0x2  }
0x22c: {  	v2 =	vld.idx.msk [tilespmem:v2+s7+$0x0], $0xffff;
	_ =	sdelay $0x1  }
0x22d: {  	v3 =	vld.idx.msk [tilespmem:v3+s7+$0x0], $0xffff;
	_ =	sdelay $0x2  }
0x22e: {  	v5 =	vand.u32 $0x7FFFFF, v2  }
0x22f: {  	v5 =	vor.u32 $0x3F800000, v5  }
0x230: {  	v7 =	vand.u32 $0x7FFFFF, v3;
	v8 =	vadd.f32 $1.000000000e+00, v5  }
0x231: {  	v9 =	vor.u32 $0x3F800000, v7  }
0x232: {  	v10 =	vadd.f32 $1.000000000e+00, v9;
	(erf) = vrcp.f32 v8;
	_ =	sdelay $0x1  }
0x233: {  	(erf) = vrcp.f32 v10;
	_ =	sdelay $0x1  }
0x234: {  	v6 =	vshrl.u32 v3, $0x17  }
0x235: {  	v6 =	vand.u32 $0xFF, v6  }
0x236: {  	v6 =	vadd.s32 $0xFFFFFF81, v6  }
0x237: {  	v4 =	vshrl.u32 v2, $0x17  }
0x238: {  	v4 =	vand.u32 $0xFF, v4;
	v10 =	vadd.f32 $-1.000000000e+00, v5  }
0x239: {  	v7 =	vadd.s32 $0xFFFFFF81, v4;
	v4 =	vcvt.s32.f32 v6;
	v6 =	vpop (erf)  }
0x23a: {  	v8 =	vadd.f32 $-1.000000000e+00, v9;
	v6 =	vmul.f32 v6, v10  }
0x23b: {  	v5 =	vpop (erf)  }
0x23c: {  	v5 =	vmul.f32 v5, v8;
	v9 =	vmul.f32 v6, v6;
	_ =	sdelay $0x1  }
0x23d: {  	v8 =	vmul.f32 v5, v5;
	v10 =	vmul.f32 $1.111111120e-01, v9;
	_ =	sdelay $0x1  }
0x23e: {  	v11 =	vmul.f32 $1.111111120e-01, v8;
	v10 =	vadd.f32 $1.428571490e-01, v10  }
0x23f: {  	p0 =	sne.s32 s11, $0x1  }
.Ltmp1:
0x240: {  	v11 =	vadd.f32 $1.428571490e-01, v11;
	v10 =	vmul.f32 v10, v9;
	(pc) =	sbr.rel @p0 .LBB2_1-.Ltmp1, $3  }
0x241: {  	_ = 	snop  }
0x242: {  	v11 =	vmul.f32 v11, v8;
	v12 =	vadd.f32 $2.000000030e-01, v10;
	_ =	sdelay $0x1  }
0x243: {  	s11 =	sadd.s32 $0xFFFFFFFF, s11;
	v7 =	vcvt.s32.f32 v7;
	v10 =	vadd.f32 $2.000000030e-01, v11;
	v11 =	vmul.f32 v12, v9  }
.LBB2_2:
0x244: {  	_ = 	snop  }
0x245: {  	v0 =	vmul.f32 v10, v8;
	_ =	sdelay $0x1  }
0x246: {  	v1 =	vadd.f32 $3.333333430e-01, v11;
	v0 =	vadd.f32 $3.333333430e-01, v0;
	_ =	sdelay $0x1  }
0x247: {  	v1 =	vmul.f32 v1, v9;
	v0 =	vmul.f32 v0, v8  }
0x248: {  	v6 =	vadd.f32 v6, v6;
	v5 =	vadd.f32 v5, v5  }
0x249: {  	v1 =	vadd.f32 $1.000000000e+00, v1;
	v0 =	vadd.f32 $1.000000000e+00, v0  }
0x24a: {  	v4 =	vmul.f32 $6.931471820e-01, v4;
	v7 =	vmul.f32 $6.931471820e-01, v7  }
0x24b: {  	v1 =	vmul.f32 v1, v6;
	v0 =	vmul.f32 v0, v5;
	_ =	sdelay $0x1  }
0x24c: {  	v1 =	vadd.f32 v1, v7;
	v0 =	vadd.f32 v0, v4;
	_ =	sdelay $0x1  }
0x24d: {  	v1 =	vsub.f32 $0.0e+00, v1;
	v0 =	vsub.f32 $0.0e+00, v0  }
0x24e: {  	vm0 =	veq.f32 v2, $0.0e+00;
	vm1 =	veq.f32 v3, $0.0e+00  }
0x24f: {  	v1 =	vsel vm0, $0x7F800000, v1;
	v0 =	vsel vm1, $0x7F800000, v0  }
0x250: {  	s3 =	sld [smem:$0x7F9];
	v0 =	vadd.f32 v0, v1;
	_ =	sdelay $0x1  }
0x251: {  	s5 =	rddreg [dreg:$0x4];
	[tilespmem:$0x8080] =	vst v0  }
0x252: {  	[hbm4b:s5+s2] =	stream.linear.scatter [tilespmem:s3], [sflag:$0x2], $0x80, $0x38;
	[tilespmem:$0x8100] =	vst v63  }
0x253: {  	_ =	swait.ge [sflag:s4], $0x80  }
0x254: {  	[sflag:s4] =	ssyncset.done $0x0  }
0x255: {  	[sflag:s4] =	ssyncadd.s32 $0xFFFFFF80  }
0x256: {  	_ =	sfence.sel $0x180000  }
0x257: {  	[bflag:$0x0] =	sbarrier.arrive $0xFFFF  }
0x258: {  	p0 =	sne.s32 s0, $0x0;
	_ =	strace $0x90000047  }
0x259: {  	s0 =	sadd.s32 @!p0 $0x100000, s1;
	[bflag:$0x2] =	sbarrier.arrive $0xFFFF  }
0x25a: {  	[sflag:s0] =	ssyncadd.tile.s32 @!p0 $0x1;
	_ =	shalt  }
.Lfunc_end2:
_tile_overlayer_lowered:
.L_overlay_start_2:
0x25b: {  	(tag) =	ssettag $0x2  }
0x25c: {  	s0 =	rddreg [dreg:$0x0];
	s2 =	stileid.u32  }
0x25d: {  	s1 =	rddreg [dreg:$0x1];
	p0 =	sne.s32 s2, $0x0  }
0x25e: {  	s3 =	rddreg [dreg:$0x2];
	[bflag:$0x3] =	sbarrier.arrive $0xFFFF;
	s2 =	simm.s32 @!p0 $0x1C02  }
0x25f: {  	[timem:s3], [sflag:s2] =	dma.local @!p0 [hbm:s0], s1  }
0x260: {  	s0 =	simm.s32 @!p0 $0x2  }
0x261: {  	_ =	swait.ge @!p0 [sflag:s0], s1  }
0x262: {  	s1 =	ssub.s32 @!p0 $0x0, s1;
	[sflag:s0] =	ssyncset.done @!p0 $0x0  }
0x263: {  	[sflag:s0] =	ssyncadd.s32 @!p0 s1  }
0x264: {  	[bflag:$0x3] =	sbarrier.arrive $0xFFFF  }
0x265: {  	_ =	shalt  }

</sc_bundles>
